<compile_context>
chip_gen: v7x
topology: tpu7x:2x2x1
jax: 0.10.2.dev20260603
libtpu: 0.0.44.dev20260713+nightly
codegen_flags: <defaults>
</compile_context>

<pallas_src>
import functools

import jax
import jax.numpy as jnp
from jax.experimental import pallas as pl
from jax.experimental.pallas import tpu as pltpu

CH = 512
FB = 512
RPAD = 4864


def _router_body(x_ref, wr_ref, br_ref, g1_ref, g2_ref, p1_ref, p2_ref,
                 off_ref, nck_ref, *, n_e):
    x = x_ref[...]
    s = x.shape[0]
    logits = jnp.dot(x, wr_ref[...], preferred_element_type=jnp.float32)
    logits = logits + br_ref[...]
    m = jnp.max(logits, axis=1, keepdims=True)
    ex = jnp.exp(logits - m)
    rw = ex / jnp.sum(ex, axis=1, keepdims=True)
    iota = jax.lax.broadcasted_iota(jnp.int32, rw.shape, 1)
    m1 = jnp.max(rw, axis=1, keepdims=True)
    i1 = jnp.min(jnp.where(rw == m1, iota, n_e), axis=1, keepdims=True)
    oh1 = iota == i1
    rw2 = jnp.where(oh1, -1e30, rw)
    m2 = jnp.max(rw2, axis=1, keepdims=True)
    i2 = jnp.min(jnp.where(rw2 == m2, iota, n_e), axis=1, keepdims=True)
    oh2 = iota == i2
    v1 = jnp.sum(jnp.where(oh1, rw, 0.0), axis=1, keepdims=True)
    v2 = jnp.sum(jnp.where(oh2, rw, 0.0), axis=1, keepdims=True)
    tot = v1 + v2
    g1_ref[...] = v1 / tot
    g2_ref[...] = v2 / tot

    c1 = oh1.astype(jnp.int32)
    c2 = oh2.astype(jnp.int32)
    oh1i = c1
    oh2i = c2
    k = 1
    while k < s:
        z = jnp.zeros((k, n_e), jnp.int32)
        c1 = c1 + jnp.concatenate([z, c1[:-k]], axis=0)
        c2 = c2 + jnp.concatenate([z, c2[:-k]], axis=0)
        k *= 2
    rank1 = c1 - oh1i
    rank2 = c2 - oh2i
    tot1 = c1[s - 1:s, :]
    tot2 = c2[s - 1:s, :]
    c = tot1 + tot2
    c8 = (c + 7) // 8 * 8
    offv = c8
    k = 1
    while k < n_e:
        offv = offv + jnp.concatenate(
            [jnp.zeros((1, k), jnp.int32), offv[:, :-k]], axis=1)
        k *= 2
    off_x = offv - c8

    def lane_sel(oh, arr):
        return jnp.sum(jnp.where(oh, arr, 0), axis=1, keepdims=True)

    p1_ref[...] = lane_sel(oh1, off_x + rank1)
    p2_ref[...] = lane_sel(oh2, off_x + tot1 + rank2)
    off_ref[...] = off_x
    nck_ref[...] = (c8 + CH - 1) // CH


def _ffn_body(off_ref, nck_ref, x_ref, w1_ref, b1_ref, w2_ref, b2_ref,
              gate_ref, out_ref, *, nf, n_e, maxc):
    f = pl.program_id(1)
    e = pl.program_id(0)
    off = off_ref[e]
    nc = nck_ref[e]

    for i in range(maxc):
        @pl.when(i < nc)
        def _chunk():
            start = pl.multiple_of(off + i * CH, 8)
            xs = x_ref[pl.ds(start, CH), :]
            h = jnp.dot(xs, w1_ref[0], preferred_element_type=jnp.float32)
            h = jnp.maximum(h + b1_ref[0, 0], 0.0)
            part = jnp.dot(h, w2_ref[0], preferred_element_type=jnp.float32)

            @pl.when(f == 0)
            def _init():
                out_ref[pl.ds(start, CH), :] = part + b2_ref[0]

            @pl.when((f > 0) & (f < nf - 1))
            def _acc():
                out_ref[pl.ds(start, CH), :] += part

            @pl.when(f == nf - 1)
            def _fin():
                val = out_ref[pl.ds(start, CH), :] + part
                out_ref[pl.ds(start, CH), :] = val * gate_ref[pl.ds(start, CH), :]


def kernel(input_emb, Wr, br, W1, b1, W2, b2):
    B, S, D = input_emb.shape
    E = Wr.shape[1]
    F = W1.shape[2]
    nf = F // FB

    x = input_emb.reshape(S, D)
    br2 = br.reshape(1, E)
    b1r = b1.reshape(E, nf, 1, FB)
    b2r = b2.reshape(E, 1, D)

    g1, g2, p1c, p2c, offs, ncks = pl.pallas_call(
        functools.partial(_router_body, n_e=E),
        in_specs=[
            pl.BlockSpec((S, D), lambda: (0, 0)),
            pl.BlockSpec((D, E), lambda: (0, 0)),
            pl.BlockSpec((1, E), lambda: (0, 0)),
        ],
        out_specs=[
            pl.BlockSpec((S, 1), lambda: (0, 0)),
            pl.BlockSpec((S, 1), lambda: (0, 0)),
            pl.BlockSpec((S, 1), lambda: (0, 0)),
            pl.BlockSpec((S, 1), lambda: (0, 0)),
            pl.BlockSpec((1, E), lambda: (0, 0)),
            pl.BlockSpec((1, E), lambda: (0, 0)),
        ],
        out_shape=[
            jax.ShapeDtypeStruct((S, 1), jnp.float32),
            jax.ShapeDtypeStruct((S, 1), jnp.float32),
            jax.ShapeDtypeStruct((S, 1), jnp.int32),
            jax.ShapeDtypeStruct((S, 1), jnp.int32),
            jax.ShapeDtypeStruct((1, E), jnp.int32),
            jax.ShapeDtypeStruct((1, E), jnp.int32),
        ],
    )(x, Wr, br2)

    pos = jnp.concatenate([p1c[:, 0], p2c[:, 0]])
    tt = jnp.concatenate([jnp.arange(S, dtype=jnp.int32)] * 2)
    gg = jnp.concatenate([g1[:, 0], g2[:, 0]])
    rows = jnp.zeros((RPAD,), jnp.int32).at[pos].set(tt)
    gates = jnp.zeros((RPAD,), jnp.float32).at[pos].set(gg)
    off = offs.reshape(E)
    nck = ncks.reshape(E)
    x_sorted = jnp.take(x, rows, axis=0)

    ys = pl.pallas_call(
        functools.partial(_ffn_body, nf=nf, n_e=E, maxc=-(-S // CH)),
        grid=(E, nf),
        in_specs=[
            pl.BlockSpec(memory_space=pltpu.SMEM),
            pl.BlockSpec(memory_space=pltpu.SMEM),
            pl.BlockSpec((RPAD, D), lambda e, f: (0, 0)),
            pl.BlockSpec((1, D, FB), lambda e, f: (e, 0, f)),
            pl.BlockSpec((1, 1, 1, FB), lambda e, f: (e, f, 0, 0)),
            pl.BlockSpec((1, FB, D), lambda e, f: (e, f, 0)),
            pl.BlockSpec((1, 1, D), lambda e, f: (e, 0, 0)),
            pl.BlockSpec((RPAD, 1), lambda e, f: (0, 0)),
        ],
        out_specs=pl.BlockSpec((RPAD, D), lambda e, f: (0, 0)),
        out_shape=jax.ShapeDtypeStruct((RPAD, D), jnp.float32),
        compiler_params=pltpu.CompilerParams(
            dimension_semantics=("arbitrary", "arbitrary"),
        ),
    )(off, nck, x_sorted, W1, b1r, W2, b2r, gates.reshape(RPAD, 1))

    p1 = p1c[:, 0]
    p2 = p2c[:, 0]
    out = jnp.take(ys, p1, axis=0) + jnp.take(ys, p2, axis=0)
    return out.reshape(B, S, D)

# --- scband reference (transcript-rebuilt; emitter-appended) ---
"""Pipeline reference for scband-mo-efeed-forward-6828998001004 (READ-ONLY COPY).

The authoritative reference and input builder live on the scoring server;
editing this copy changes nothing except your own understanding.
"""

import jax, jax.numpy as jnp
import numpy as np

E = 8
TOPK = 2
D = 1024
EXP = 4
B = 1
S = 2048


def setup_inputs(seed: int = 0) -> dict:
    key = jax.random.key(seed)
    ks = jax.random.split(key, 6)
    input_emb = jax.random.normal(ks[0], (B, S, D), dtype=jnp.float32)
    Wr = jax.random.normal(ks[1], (D, E), dtype=jnp.float32) * 0.02
    br = jnp.zeros((E,), dtype=jnp.float32)
    W1 = jax.random.normal(ks[2], (E, D, EXP * D), dtype=jnp.float32) * 0.02
    b1 = jnp.zeros((E, EXP * D), dtype=jnp.float32)
    W2 = jax.random.normal(ks[3], (E, EXP * D, D), dtype=jnp.float32) * 0.02
    b2 = jnp.zeros((E, D), dtype=jnp.float32)
    return {"input_emb": input_emb, "Wr": Wr, "br": br, "W1": W1, "b1": b1, "W2": W2, "b2": b2}


def reference(input_emb, Wr, br, W1, b1, W2, b2):
    # router
    route_logits = jnp.einsum('bsd,de->bse', input_emb, Wr) + br
    route_weights = jax.nn.softmax(route_logits, axis=-1)
    # top-k selection and mask (scatter of ones along last dim)
    topk_vals, topk_idx = jax.lax.top_k(route_weights, TOPK)
    mask = jax.nn.one_hot(topk_idx, E, dtype=route_weights.dtype).sum(axis=-2)
    routed_weights = route_weights * mask
    routed_weights = routed_weights / routed_weights.sum(axis=-1, keepdims=True)
    # dense evaluation of every expert on every token (faithful to torch code)
    h = jnp.einsum('bsd,edf->ebsf', input_emb, W1) + b1[:, None, None, :]
    h = jax.nn.relu(h)
    expert_outputs = jnp.einsum('ebsf,efd->ebsd', h, W2) + b2[:, None, None, :]
    # dropout in eval mode = identity
    w = jnp.transpose(routed_weights, (2, 0, 1))[..., None]  # [E, B, S, 1]
    output = (w * expert_outputs).sum(axis=0)
    return output

if __name__ == "__main__":
    import jax
    _d = setup_inputs()
    print(jax.jit(kernel)(*tuple(_d.values())))

</pallas_src>

<mosaic_0001>
module attributes {stable_mosaic.version = 14 : i64} {
  func.func @_router_body(%arg0: memref<2048x1024xf32, #tpu.memory_space<vmem>>, %arg1: memref<1024x8xf32, #tpu.memory_space<vmem>>, %arg2: memref<1x8xf32, #tpu.memory_space<vmem>>, %arg3: memref<2048x1xf32, #tpu.memory_space<vmem>>, %arg4: memref<2048x1xf32, #tpu.memory_space<vmem>>, %arg5: memref<2048x1xi32, #tpu.memory_space<vmem>>, %arg6: memref<2048x1xi32, #tpu.memory_space<vmem>>, %arg7: memref<1x8xi32, #tpu.memory_space<vmem>>, %arg8: memref<1x8xi32, #tpu.memory_space<vmem>>) attributes {dimension_semantics = [], scalar_prefetch = 0 : i64, scratch_operands = 0 : i64, tpu.core_type = #tpu.core_type<tc>} {
    %get3A = arith.constant 0 : index
    %get3A_0 = arith.constant 0 : index
    %get3A_1 = vector.load %arg0[%get3A, %get3A_0] : memref<2048x1024xf32, #tpu.memory_space<vmem>>, vector<2048x1024xf32>
    %get3A_2 = arith.constant 0 : index
    %get3A_3 = arith.constant 0 : index
    %get3A_4 = vector.load %arg1[%get3A_2, %get3A_3] : memref<1024x8xf32, #tpu.memory_space<vmem>>, vector<1024x8xf32>
    %dot_general3A = arith.constant dense<0.000000e+00> : vector<2048x8xf32>
    %dot_general3A_5 = tpu.matmul %get3A_1, %get3A_4, %dot_general3A {dimension_numbers = #tpu.dot_dimension_numbers<[1], [0], [0], [1], [0, 0, 1, 1], [], []>, transpose_lhs_hint = false} : vector<2048x1024xf32>, vector<1024x8xf32>, vector<2048x8xf32> -> vector<2048x8xf32>
    %get3A_6 = arith.constant 0 : index
    %get3A_7 = arith.constant 0 : index
    %get3A_8 = vector.load %arg2[%get3A_6, %get3A_7] : memref<1x8xf32, #tpu.memory_space<vmem>>, vector<1x8xf32>
    %add3A = vector.broadcast %get3A_8 : vector<1x8xf32> to vector<2048x8xf32>
    %add3A_9 = arith.addf %dot_general3A_5, %add3A : vector<2048x8xf32>
    %reduce_max3A = arith.constant dense<0xFF800000> : vector<2048xf32>
    %reduce_max3A_10 = vector.multi_reduction <maximumf>, %add3A_9, %reduce_max3A [1] : vector<2048x8xf32> to vector<2048xf32>
    %broadcast_in_dim3A = vector.shape_cast %reduce_max3A_10 : vector<2048xf32> to vector<2048x1xf32>
    %sub3A = vector.broadcast %broadcast_in_dim3A : vector<2048x1xf32> to vector<2048x8xf32>
    %sub3A_11 = arith.subf %add3A_9, %sub3A : vector<2048x8xf32>
    %exp3A = math.exp %sub3A_11 : vector<2048x8xf32>
    %reduce_sum3A = arith.constant dense<0.000000e+00> : vector<2048xf32>
    %reduce_sum3A_12 = vector.multi_reduction <add>, %exp3A, %reduce_sum3A [1] : vector<2048x8xf32> to vector<2048xf32>
    %broadcast_in_dim3A_13 = vector.shape_cast %reduce_sum3A_12 : vector<2048xf32> to vector<2048x1xf32>
    %div3A = vector.broadcast %broadcast_in_dim3A_13 : vector<2048x1xf32> to vector<2048x8xf32>
    %div3A_14 = arith.divf %exp3A, %div3A : vector<2048x8xf32>
    %iota3A = tpu.iota {dimensions = array<i32: 1>} : vector<2048x8xi32>
    %reduce_max3A_15 = arith.constant dense<0xFF800000> : vector<2048xf32>
    %reduce_max3A_16 = vector.multi_reduction <maximumf>, %div3A_14, %reduce_max3A_15 [1] : vector<2048x8xf32> to vector<2048xf32>
    %broadcast_in_dim3A_17 = vector.shape_cast %reduce_max3A_16 : vector<2048xf32> to vector<2048x1xf32>
    %eq3A = vector.broadcast %broadcast_in_dim3A_17 : vector<2048x1xf32> to vector<2048x8xf32>
    %eq3A_18 = arith.cmpf oeq, %div3A_14, %eq3A : vector<2048x8xf32>
    %jit3A = arith.constant 8 : i32
    %broadcast_in_dim3A_19 = vector.broadcast %jit3A : i32 to vector<2048x8xi32>
    %select_n3A = arith.select %eq3A_18, %iota3A, %broadcast_in_dim3A_19 : vector<2048x8xi1>, vector<2048x8xi32>
    %reduce_min3A = arith.constant dense<2147483647> : vector<2048xi32>
    %reduce_min3A_20 = vector.multi_reduction <minsi>, %select_n3A, %reduce_min3A [1] : vector<2048x8xi32> to vector<2048xi32>
    %broadcast_in_dim3A_21 = vector.shape_cast %reduce_min3A_20 : vector<2048xi32> to vector<2048x1xi32>
    %eq3A_22 = vector.broadcast %broadcast_in_dim3A_21 : vector<2048x1xi32> to vector<2048x8xi32>
    %eq3A_23 = arith.cmpi eq, %iota3A, %eq3A_22 : vector<2048x8xi32>
    %jit3A_24 = arith.constant -1.000000e+30 : f32
    %broadcast_in_dim3A_25 = vector.broadcast %jit3A_24 : f32 to vector<2048x8xf32>
    %select_n3A_26 = arith.select %eq3A_23, %broadcast_in_dim3A_25, %div3A_14 : vector<2048x8xi1>, vector<2048x8xf32>
    %reduce_max3A_27 = arith.constant dense<0xFF800000> : vector<2048xf32>
    %reduce_max3A_28 = vector.multi_reduction <maximumf>, %select_n3A_26, %reduce_max3A_27 [1] : vector<2048x8xf32> to vector<2048xf32>
    %broadcast_in_dim3A_29 = vector.shape_cast %reduce_max3A_28 : vector<2048xf32> to vector<2048x1xf32>
    %eq3A_30 = vector.broadcast %broadcast_in_dim3A_29 : vector<2048x1xf32> to vector<2048x8xf32>
    %eq3A_31 = arith.cmpf oeq, %select_n3A_26, %eq3A_30 : vector<2048x8xf32>
    %jit3A_32 = arith.constant 8 : i32
    %broadcast_in_dim3A_33 = vector.broadcast %jit3A_32 : i32 to vector<2048x8xi32>
    %select_n3A_34 = arith.select %eq3A_31, %iota3A, %broadcast_in_dim3A_33 : vector<2048x8xi1>, vector<2048x8xi32>
    %reduce_min3A_35 = arith.constant dense<2147483647> : vector<2048xi32>
    %reduce_min3A_36 = vector.multi_reduction <minsi>, %select_n3A_34, %reduce_min3A_35 [1] : vector<2048x8xi32> to vector<2048xi32>
    %broadcast_in_dim3A_37 = vector.shape_cast %reduce_min3A_36 : vector<2048xi32> to vector<2048x1xi32>
    %eq3A_38 = vector.broadcast %broadcast_in_dim3A_37 : vector<2048x1xi32> to vector<2048x8xi32>
    %eq3A_39 = arith.cmpi eq, %iota3A, %eq3A_38 : vector<2048x8xi32>
    %jit3A_40 = arith.constant 0.000000e+00 : f32
    %broadcast_in_dim3A_41 = vector.broadcast %jit3A_40 : f32 to vector<2048x8xf32>
    %select_n3A_42 = arith.select %eq3A_23, %div3A_14, %broadcast_in_dim3A_41 : vector<2048x8xi1>, vector<2048x8xf32>
    %reduce_sum3A_43 = arith.constant dense<0.000000e+00> : vector<2048xf32>
    %reduce_sum3A_44 = vector.multi_reduction <add>, %select_n3A_42, %reduce_sum3A_43 [1] : vector<2048x8xf32> to vector<2048xf32>
    %broadcast_in_dim3A_45 = vector.shape_cast %reduce_sum3A_44 : vector<2048xf32> to vector<2048x1xf32>
    %jit3A_46 = arith.constant 0.000000e+00 : f32
    %broadcast_in_dim3A_47 = vector.broadcast %jit3A_46 : f32 to vector<2048x8xf32>
    %select_n3A_48 = arith.select %eq3A_39, %div3A_14, %broadcast_in_dim3A_47 : vector<2048x8xi1>, vector<2048x8xf32>
    %reduce_sum3A_49 = arith.constant dense<0.000000e+00> : vector<2048xf32>
    %reduce_sum3A_50 = vector.multi_reduction <add>, %select_n3A_48, %reduce_sum3A_49 [1] : vector<2048x8xf32> to vector<2048xf32>
    %broadcast_in_dim3A_51 = vector.shape_cast %reduce_sum3A_50 : vector<2048xf32> to vector<2048x1xf32>
    %add3A_52 = arith.addf %broadcast_in_dim3A_45, %broadcast_in_dim3A_51 : vector<2048x1xf32>
    %div3A_53 = arith.divf %broadcast_in_dim3A_45, %add3A_52 : vector<2048x1xf32>
    %swap3A = arith.constant 0 : index
    %swap3A_54 = arith.constant 0 : index
    %swap3A_55 = vector.load %arg3[%swap3A, %swap3A_54] : memref<2048x1xf32, #tpu.memory_space<vmem>>, vector<2048x1xf32>
    tpu.vector_store %arg3[%swap3A, %swap3A_54], %div3A_53 {strides = array<i32>} : memref<2048x1xf32, #tpu.memory_space<vmem>>, vector<2048x1xf32>,
    %div3A_56 = arith.divf %broadcast_in_dim3A_51, %add3A_52 : vector<2048x1xf32>
    %swap3A_57 = arith.constant 0 : index
    %swap3A_58 = arith.constant 0 : index
    %swap3A_59 = vector.load %arg4[%swap3A_57, %swap3A_58] : memref<2048x1xf32, #tpu.memory_space<vmem>>, vector<2048x1xf32>
    tpu.vector_store %arg4[%swap3A_57, %swap3A_58], %div3A_56 {strides = array<i32>} : memref<2048x1xf32, #tpu.memory_space<vmem>>, vector<2048x1xf32>,
    %convert_element_type3A = arith.extui %eq3A_23 : vector<2048x8xi1> to vector<2048x8xi32>
    %convert_element_type3A_60 = arith.extui %eq3A_39 : vector<2048x8xi1> to vector<2048x8xi32>
    %broadcast_in_dim3A_61 = arith.constant 0 : i32
    %broadcast_in_dim3A_62 = vector.broadcast %broadcast_in_dim3A_61 : i32 to vector<1x8xi32>
    %slice3A = vector.extract_strided_slice %convert_element_type3A {offsets = [0, 0], sizes = [2047, 8], strides = [1, 1]} : vector<2048x8xi32> to vector<2047x8xi32>
    %concatenate3A = tpu.concatenate %broadcast_in_dim3A_62, %slice3A in 0 : vector<1x8xi32>, vector<2047x8xi32> -> vector<2048x8xi32>
    %add3A_63 = arith.addi %convert_element_type3A, %concatenate3A : vector<2048x8xi32>
    %slice3A_64 = vector.extract_strided_slice %convert_element_type3A_60 {offsets = [0, 0], sizes = [2047, 8], strides = [1, 1]} : vector<2048x8xi32> to vector<2047x8xi32>
    %concatenate3A_65 = tpu.concatenate %broadcast_in_dim3A_62, %slice3A_64 in 0 : vector<1x8xi32>, vector<2047x8xi32> -> vector<2048x8xi32>
    %add3A_66 = arith.addi %convert_element_type3A_60, %concatenate3A_65 : vector<2048x8xi32>
    %broadcast_in_dim3A_67 = arith.constant 0 : i32
    %broadcast_in_dim3A_68 = vector.broadcast %broadcast_in_dim3A_67 : i32 to vector<2x8xi32>
    %slice3A_69 = vector.extract_strided_slice %add3A_63 {offsets = [0, 0], sizes = [2046, 8], strides = [1, 1]} : vector<2048x8xi32> to vector<2046x8xi32>
    %concatenate3A_70 = tpu.concatenate %broadcast_in_dim3A_68, %slice3A_69 in 0 : vector<2x8xi32>, vector<2046x8xi32> -> vector<2048x8xi32>
    %add3A_71 = arith.addi %add3A_63, %concatenate3A_70 : vector<2048x8xi32>
    %slice3A_72 = vector.extract_strided_slice %add3A_66 {offsets = [0, 0], sizes = [2046, 8], strides = [1, 1]} : vector<2048x8xi32> to vector<2046x8xi32>
    %concatenate3A_73 = tpu.concatenate %broadcast_in_dim3A_68, %slice3A_72 in 0 : vector<2x8xi32>, vector<2046x8xi32> -> vector<2048x8xi32>
    %add3A_74 = arith.addi %add3A_66, %concatenate3A_73 : vector<2048x8xi32>
    %broadcast_in_dim3A_75 = arith.constant 0 : i32
    %broadcast_in_dim3A_76 = vector.broadcast %broadcast_in_dim3A_75 : i32 to vector<4x8xi32>
    %slice3A_77 = vector.extract_strided_slice %add3A_71 {offsets = [0, 0], sizes = [2044, 8], strides = [1, 1]} : vector<2048x8xi32> to vector<2044x8xi32>
    %concatenate3A_78 = tpu.concatenate %broadcast_in_dim3A_76, %slice3A_77 in 0 : vector<4x8xi32>, vector<2044x8xi32> -> vector<2048x8xi32>
    %add3A_79 = arith.addi %add3A_71, %concatenate3A_78 : vector<2048x8xi32>
    %slice3A_80 = vector.extract_strided_slice %add3A_74 {offsets = [0, 0], sizes = [2044, 8], strides = [1, 1]} : vector<2048x8xi32> to vector<2044x8xi32>
    %concatenate3A_81 = tpu.concatenate %broadcast_in_dim3A_76, %slice3A_80 in 0 : vector<4x8xi32>, vector<2044x8xi32> -> vector<2048x8xi32>
    %add3A_82 = arith.addi %add3A_74, %concatenate3A_81 : vector<2048x8xi32>
    %broadcast_in_dim3A_83 = arith.constant 0 : i32
    %broadcast_in_dim3A_84 = vector.broadcast %broadcast_in_dim3A_83 : i32 to vector<8x8xi32>
    %slice3A_85 = vector.extract_strided_slice %add3A_79 {offsets = [0, 0], sizes = [2040, 8], strides = [1, 1]} : vector<2048x8xi32> to vector<2040x8xi32>
    %concatenate3A_86 = tpu.concatenate %broadcast_in_dim3A_84, %slice3A_85 in 0 : vector<8x8xi32>, vector<2040x8xi32> -> vector<2048x8xi32>
    %add3A_87 = arith.addi %add3A_79, %concatenate3A_86 : vector<2048x8xi32>
    %slice3A_88 = vector.extract_strided_slice %add3A_82 {offsets = [0, 0], sizes = [2040, 8], strides = [1, 1]} : vector<2048x8xi32> to vector<2040x8xi32>
    %concatenate3A_89 = tpu.concatenate %broadcast_in_dim3A_84, %slice3A_88 in 0 : vector<8x8xi32>, vector<2040x8xi32> -> vector<2048x8xi32>
    %add3A_90 = arith.addi %add3A_82, %concatenate3A_89 : vector<2048x8xi32>
    %broadcast_in_dim3A_91 = arith.constant 0 : i32
    %broadcast_in_dim3A_92 = vector.broadcast %broadcast_in_dim3A_91 : i32 to vector<16x8xi32>
    %slice3A_93 = vector.extract_strided_slice %add3A_87 {offsets = [0, 0], sizes = [2032, 8], strides = [1, 1]} : vector<2048x8xi32> to vector<2032x8xi32>
    %concatenate3A_94 = tpu.concatenate %broadcast_in_dim3A_92, %slice3A_93 in 0 : vector<16x8xi32>, vector<2032x8xi32> -> vector<2048x8xi32>
    %add3A_95 = arith.addi %add3A_87, %concatenate3A_94 : vector<2048x8xi32>
    %slice3A_96 = vector.extract_strided_slice %add3A_90 {offsets = [0, 0], sizes = [2032, 8], strides = [1, 1]} : vector<2048x8xi32> to vector<2032x8xi32>
    %concatenate3A_97 = tpu.concatenate %broadcast_in_dim3A_92, %slice3A_96 in 0 : vector<16x8xi32>, vector<2032x8xi32> -> vector<2048x8xi32>
    %add3A_98 = arith.addi %add3A_90, %concatenate3A_97 : vector<2048x8xi32>
    %broadcast_in_dim3A_99 = arith.constant 0 : i32
    %broadcast_in_dim3A_100 = vector.broadcast %broadcast_in_dim3A_99 : i32 to vector<32x8xi32>
    %slice3A_101 = vector.extract_strided_slice %add3A_95 {offsets = [0, 0], sizes = [2016, 8], strides = [1, 1]} : vector<2048x8xi32> to vector<2016x8xi32>
    %concatenate3A_102 = tpu.concatenate %broadcast_in_dim3A_100, %slice3A_101 in 0 : vector<32x8xi32>, vector<2016x8xi32> -> vector<2048x8xi32>
    %add3A_103 = arith.addi %add3A_95, %concatenate3A_102 : vector<2048x8xi32>
    %slice3A_104 = vector.extract_strided_slice %add3A_98 {offsets = [0, 0], sizes = [2016, 8], strides = [1, 1]} : vector<2048x8xi32> to vector<2016x8xi32>
    %concatenate3A_105 = tpu.concatenate %broadcast_in_dim3A_100, %slice3A_104 in 0 : vector<32x8xi32>, vector<2016x8xi32> -> vector<2048x8xi32>
    %add3A_106 = arith.addi %add3A_98, %concatenate3A_105 : vector<2048x8xi32>
    %broadcast_in_dim3A_107 = arith.constant 0 : i32
    %broadcast_in_dim3A_108 = vector.broadcast %broadcast_in_dim3A_107 : i32 to vector<64x8xi32>
    %slice3A_109 = vector.extract_strided_slice %add3A_103 {offsets = [0, 0], sizes = [1984, 8], strides = [1, 1]} : vector<2048x8xi32> to vector<1984x8xi32>
    %concatenate3A_110 = tpu.concatenate %broadcast_in_dim3A_108, %slice3A_109 in 0 : vector<64x8xi32>, vector<1984x8xi32> -> vector<2048x8xi32>
    %add3A_111 = arith.addi %add3A_103, %concatenate3A_110 : vector<2048x8xi32>
    %slice3A_112 = vector.extract_strided_slice %add3A_106 {offsets = [0, 0], sizes = [1984, 8], strides = [1, 1]} : vector<2048x8xi32> to vector<1984x8xi32>
    %concatenate3A_113 = tpu.concatenate %broadcast_in_dim3A_108, %slice3A_112 in 0 : vector<64x8xi32>, vector<1984x8xi32> -> vector<2048x8xi32>
    %add3A_114 = arith.addi %add3A_106, %concatenate3A_113 : vector<2048x8xi32>
    %broadcast_in_dim3A_115 = arith.constant 0 : i32
    %broadcast_in_dim3A_116 = vector.broadcast %broadcast_in_dim3A_115 : i32 to vector<128x8xi32>
    %slice3A_117 = vector.extract_strided_slice %add3A_111 {offsets = [0, 0], sizes = [1920, 8], strides = [1, 1]} : vector<2048x8xi32> to vector<1920x8xi32>
    %concatenate3A_118 = tpu.concatenate %broadcast_in_dim3A_116, %slice3A_117 in 0 : vector<128x8xi32>, vector<1920x8xi32> -> vector<2048x8xi32>
    %add3A_119 = arith.addi %add3A_111, %concatenate3A_118 : vector<2048x8xi32>
    %slice3A_120 = vector.extract_strided_slice %add3A_114 {offsets = [0, 0], sizes = [1920, 8], strides = [1, 1]} : vector<2048x8xi32> to vector<1920x8xi32>
    %concatenate3A_121 = tpu.concatenate %broadcast_in_dim3A_116, %slice3A_120 in 0 : vector<128x8xi32>, vector<1920x8xi32> -> vector<2048x8xi32>
    %add3A_122 = arith.addi %add3A_114, %concatenate3A_121 : vector<2048x8xi32>
    %broadcast_in_dim3A_123 = arith.constant 0 : i32
    %broadcast_in_dim3A_124 = vector.broadcast %broadcast_in_dim3A_123 : i32 to vector<256x8xi32>
    %slice3A_125 = vector.extract_strided_slice %add3A_119 {offsets = [0, 0], sizes = [1792, 8], strides = [1, 1]} : vector<2048x8xi32> to vector<1792x8xi32>
    %concatenate3A_126 = tpu.concatenate %broadcast_in_dim3A_124, %slice3A_125 in 0 : vector<256x8xi32>, vector<1792x8xi32> -> vector<2048x8xi32>
    %add3A_127 = arith.addi %add3A_119, %concatenate3A_126 : vector<2048x8xi32>
    %slice3A_128 = vector.extract_strided_slice %add3A_122 {offsets = [0, 0], sizes = [1792, 8], strides = [1, 1]} : vector<2048x8xi32> to vector<1792x8xi32>
    %concatenate3A_129 = tpu.concatenate %broadcast_in_dim3A_124, %slice3A_128 in 0 : vector<256x8xi32>, vector<1792x8xi32> -> vector<2048x8xi32>
    %add3A_130 = arith.addi %add3A_122, %concatenate3A_129 : vector<2048x8xi32>
    %broadcast_in_dim3A_131 = arith.constant 0 : i32
    %broadcast_in_dim3A_132 = vector.broadcast %broadcast_in_dim3A_131 : i32 to vector<512x8xi32>
    %slice3A_133 = vector.extract_strided_slice %add3A_127 {offsets = [0, 0], sizes = [1536, 8], strides = [1, 1]} : vector<2048x8xi32> to vector<1536x8xi32>
    %concatenate3A_134 = tpu.concatenate %broadcast_in_dim3A_132, %slice3A_133 in 0 : vector<512x8xi32>, vector<1536x8xi32> -> vector<2048x8xi32>
    %add3A_135 = arith.addi %add3A_127, %concatenate3A_134 : vector<2048x8xi32>
    %slice3A_136 = vector.extract_strided_slice %add3A_130 {offsets = [0, 0], sizes = [1536, 8], strides = [1, 1]} : vector<2048x8xi32> to vector<1536x8xi32>
    %concatenate3A_137 = tpu.concatenate %broadcast_in_dim3A_132, %slice3A_136 in 0 : vector<512x8xi32>, vector<1536x8xi32> -> vector<2048x8xi32>
    %add3A_138 = arith.addi %add3A_130, %concatenate3A_137 : vector<2048x8xi32>
    %broadcast_in_dim3A_139 = arith.constant 0 : i32
    %broadcast_in_dim3A_140 = vector.broadcast %broadcast_in_dim3A_139 : i32 to vector<1024x8xi32>
    %slice3A_141 = vector.extract_strided_slice %add3A_135 {offsets = [0, 0], sizes = [1024, 8], strides = [1, 1]} : vector<2048x8xi32> to vector<1024x8xi32>
    %concatenate3A_142 = tpu.concatenate %broadcast_in_dim3A_140, %slice3A_141 in 0 : vector<1024x8xi32>, vector<1024x8xi32> -> vector<2048x8xi32>
    %add3A_143 = arith.addi %add3A_135, %concatenate3A_142 : vector<2048x8xi32>
    %slice3A_144 = vector.extract_strided_slice %add3A_138 {offsets = [0, 0], sizes = [1024, 8], strides = [1, 1]} : vector<2048x8xi32> to vector<1024x8xi32>
    %concatenate3A_145 = tpu.concatenate %broadcast_in_dim3A_140, %slice3A_144 in 0 : vector<1024x8xi32>, vector<1024x8xi32> -> vector<2048x8xi32>
    %add3A_146 = arith.addi %add3A_138, %concatenate3A_145 : vector<2048x8xi32>
    %sub3A_147 = arith.subi %add3A_143, %convert_element_type3A : vector<2048x8xi32>
    %sub3A_148 = arith.subi %add3A_146, %convert_element_type3A_60 : vector<2048x8xi32>
    %slice3A_149 = vector.extract_strided_slice %add3A_143 {offsets = [2047, 0], sizes = [1, 8], strides = [1, 1]} : vector<2048x8xi32> to vector<1x8xi32>
    %slice3A_150 = vector.extract_strided_slice %add3A_146 {offsets = [2047, 0], sizes = [1, 8], strides = [1, 1]} : vector<2048x8xi32> to vector<1x8xi32>
    %add3A_151 = arith.addi %slice3A_149, %slice3A_150 : vector<1x8xi32>
    %add3A_152 = arith.constant 7 : i32
    %add3A_153 = vector.broadcast %add3A_152 : i32 to vector<1x8xi32>
    %add3A_154 = arith.addi %add3A_151, %add3A_153 : vector<1x8xi32>
    %jit3A_155 = arith.constant 8 : i32
    %div3A_156 = vector.broadcast %jit3A_155 : i32 to vector<1x8xi32>
    %div3A_157 = arith.divsi %add3A_154, %div3A_156 : vector<1x8xi32>
    %sign3A = arith.constant 0 : i32
    %sign3A_158 = vector.broadcast %sign3A : i32 to vector<1x8xi32>
    %sign3A_159 = arith.cmpi sgt, %add3A_154, %sign3A_158 : vector<1x8xi32>
    %sign3A_160 = arith.extui %sign3A_159 : vector<1x8xi1> to vector<1x8xi32>
    %sign3A_161 = arith.constant 0 : i32
    %sign3A_162 = vector.broadcast %sign3A_161 : i32 to vector<1x8xi32>
    %sign3A_163 = arith.cmpi slt, %add3A_154, %sign3A_162 : vector<1x8xi32>
    %sign3A_164 = arith.extui %sign3A_163 : vector<1x8xi1> to vector<1x8xi32>
    %sign3A_165 = arith.subi %sign3A_160, %sign3A_164 : vector<1x8xi32>
    %sign3A_166 = arith.constant 0 : i32
    %sign3A_167 = arith.cmpi sgt, %jit3A_155, %sign3A_166 : i32
    %sign3A_168 = arith.extui %sign3A_167 : i1 to i32
    %sign3A_169 = arith.constant 0 : i32
    %sign3A_170 = arith.cmpi slt, %jit3A_155, %sign3A_169 : i32
    %sign3A_171 = arith.extui %sign3A_170 : i1 to i32
    %sign3A_172 = arith.subi %sign3A_168, %sign3A_171 : i32
    %ne3A = vector.broadcast %sign3A_172 : i32 to vector<1x8xi32>
    %ne3A_173 = arith.cmpi ne, %sign3A_165, %ne3A : vector<1x8xi32>
    %rem3A = vector.broadcast %jit3A_155 : i32 to vector<1x8xi32>
    %rem3A_174 = arith.remsi %add3A_154, %rem3A : vector<1x8xi32>
    %ne3A_175 = arith.constant 0 : i32
    %ne3A_176 = vector.broadcast %ne3A_175 : i32 to vector<1x8xi32>
    %ne3A_177 = arith.cmpi ne, %rem3A_174, %ne3A_176 : vector<1x8xi32>
    %and3A = arith.andi %ne3A_173, %ne3A_177 : vector<1x8xi1>
    %sub3A_178 = arith.constant 1 : i32
    %sub3A_179 = vector.broadcast %sub3A_178 : i32 to vector<1x8xi32>
    %sub3A_180 = arith.subi %div3A_157, %sub3A_179 : vector<1x8xi32>
    %select_n3A_181 = arith.select %and3A, %sub3A_180, %div3A_157 : vector<1x8xi1>, vector<1x8xi32>
    %mul3A = arith.constant 8 : i32
    %mul3A_182 = vector.broadcast %mul3A : i32 to vector<1x8xi32>
    %mul3A_183 = arith.muli %select_n3A_181, %mul3A_182 : vector<1x8xi32>
    %broadcast_in_dim3A_184 = arith.constant 0 : i32
    %broadcast_in_dim3A_185 = vector.broadcast %broadcast_in_dim3A_184 : i32 to vector<1x1xi32>
    %slice3A_186 = vector.extract_strided_slice %mul3A_183 {offsets = [0, 0], sizes = [1, 7], strides = [1, 1]} : vector<1x8xi32> to vector<1x7xi32>
    %concatenate3A_187 = tpu.concatenate %broadcast_in_dim3A_185, %slice3A_186 in 1 : vector<1x1xi32>, vector<1x7xi32> -> vector<1x8xi32>
    %add3A_188 = arith.addi %mul3A_183, %concatenate3A_187 : vector<1x8xi32>
    %broadcast_in_dim3A_189 = arith.constant 0 : i32
    %broadcast_in_dim3A_190 = vector.broadcast %broadcast_in_dim3A_189 : i32 to vector<1x2xi32>
    %slice3A_191 = vector.extract_strided_slice %add3A_188 {offsets = [0, 0], sizes = [1, 6], strides = [1, 1]} : vector<1x8xi32> to vector<1x6xi32>
    %concatenate3A_192 = tpu.concatenate %broadcast_in_dim3A_190, %slice3A_191 in 1 : vector<1x2xi32>, vector<1x6xi32> -> vector<1x8xi32>
    %add3A_193 = arith.addi %add3A_188, %concatenate3A_192 : vector<1x8xi32>
    %broadcast_in_dim3A_194 = arith.constant 0 : i32
    %broadcast_in_dim3A_195 = vector.broadcast %broadcast_in_dim3A_194 : i32 to vector<1x4xi32>
    %slice3A_196 = vector.extract_strided_slice %add3A_193 {offsets = [0, 0], sizes = [1, 4], strides = [1, 1]} : vector<1x8xi32> to vector<1x4xi32>
    %concatenate3A_197 = tpu.concatenate %broadcast_in_dim3A_195, %slice3A_196 in 1 : vector<1x4xi32>, vector<1x4xi32> -> vector<1x8xi32>
    %add3A_198 = arith.addi %add3A_193, %concatenate3A_197 : vector<1x8xi32>
    %sub3A_199 = arith.subi %add3A_198, %mul3A_183 : vector<1x8xi32>
    %add3A_200 = vector.broadcast %sub3A_199 : vector<1x8xi32> to vector<2048x8xi32>
    %add3A_201 = arith.addi %add3A_200, %sub3A_147 : vector<2048x8xi32>
    %jit3A_202 = arith.constant 0 : i32
    %broadcast_in_dim3A_203 = vector.broadcast %jit3A_202 : i32 to vector<2048x8xi32>
    %select_n3A_204 = arith.select %eq3A_23, %add3A_201, %broadcast_in_dim3A_203 : vector<2048x8xi1>, vector<2048x8xi32>
    %reduce_sum3A_205 = arith.constant dense<0> : vector<2048xi32>
    %reduce_sum3A_206 = vector.multi_reduction <add>, %select_n3A_204, %reduce_sum3A_205 [1] : vector<2048x8xi32> to vector<2048xi32>
    %broadcast_in_dim3A_207 = vector.shape_cast %reduce_sum3A_206 : vector<2048xi32> to vector<2048x1xi32>
    %swap3A_208 = arith.constant 0 : index
    %swap3A_209 = arith.constant 0 : index
    %swap3A_210 = vector.load %arg5[%swap3A_208, %swap3A_209] : memref<2048x1xi32, #tpu.memory_space<vmem>>, vector<2048x1xi32>
    tpu.vector_store %arg5[%swap3A_208, %swap3A_209], %broadcast_in_dim3A_207 {strides = array<i32>} : memref<2048x1xi32, #tpu.memory_space<vmem>>, vector<2048x1xi32>,
    %add3A_211 = arith.addi %sub3A_199, %slice3A_149 : vector<1x8xi32>
    %add3A_212 = vector.broadcast %add3A_211 : vector<1x8xi32> to vector<2048x8xi32>
    %add3A_213 = arith.addi %add3A_212, %sub3A_148 : vector<2048x8xi32>
    %jit3A_214 = arith.constant 0 : i32
    %broadcast_in_dim3A_215 = vector.broadcast %jit3A_214 : i32 to vector<2048x8xi32>
    %select_n3A_216 = arith.select %eq3A_39, %add3A_213, %broadcast_in_dim3A_215 : vector<2048x8xi1>, vector<2048x8xi32>
    %reduce_sum3A_217 = arith.constant dense<0> : vector<2048xi32>
    %reduce_sum3A_218 = vector.multi_reduction <add>, %select_n3A_216, %reduce_sum3A_217 [1] : vector<2048x8xi32> to vector<2048xi32>
    %broadcast_in_dim3A_219 = vector.shape_cast %reduce_sum3A_218 : vector<2048xi32> to vector<2048x1xi32>
    %swap3A_220 = arith.constant 0 : index
    %swap3A_221 = arith.constant 0 : index
    %swap3A_222 = vector.load %arg6[%swap3A_220, %swap3A_221] : memref<2048x1xi32, #tpu.memory_space<vmem>>, vector<2048x1xi32>
    tpu.vector_store %arg6[%swap3A_220, %swap3A_221], %broadcast_in_dim3A_219 {strides = array<i32>} : memref<2048x1xi32, #tpu.memory_space<vmem>>, vector<2048x1xi32>,
    %swap3A_223 = arith.constant 0 : index
    %swap3A_224 = arith.constant 0 : index
    %swap3A_225 = vector.load %arg7[%swap3A_223, %swap3A_224] : memref<1x8xi32, #tpu.memory_space<vmem>>, vector<1x8xi32>
    tpu.vector_store %arg7[%swap3A_223, %swap3A_224], %sub3A_199 {strides = array<i32>} : memref<1x8xi32, #tpu.memory_space<vmem>>, vector<1x8xi32>,
    %add3A_226 = arith.constant 512 : i32
    %add3A_227 = vector.broadcast %add3A_226 : i32 to vector<1x8xi32>
    %add3A_228 = arith.addi %mul3A_183, %add3A_227 : vector<1x8xi32>
    %sub3A_229 = arith.constant 1 : i32
    %sub3A_230 = vector.broadcast %sub3A_229 : i32 to vector<1x8xi32>
    %sub3A_231 = arith.subi %add3A_228, %sub3A_230 : vector<1x8xi32>
    %jit3A_232 = arith.constant 512 : i32
    %div3A_233 = vector.broadcast %jit3A_232 : i32 to vector<1x8xi32>
    %div3A_234 = arith.divsi %sub3A_231, %div3A_233 : vector<1x8xi32>
    %sign3A_235 = arith.constant 0 : i32
    %sign3A_236 = vector.broadcast %sign3A_235 : i32 to vector<1x8xi32>
    %sign3A_237 = arith.cmpi sgt, %sub3A_231, %sign3A_236 : vector<1x8xi32>
    %sign3A_238 = arith.extui %sign3A_237 : vector<1x8xi1> to vector<1x8xi32>
    %sign3A_239 = arith.constant 0 : i32
    %sign3A_240 = vector.broadcast %sign3A_239 : i32 to vector<1x8xi32>
    %sign3A_241 = arith.cmpi slt, %sub3A_231, %sign3A_240 : vector<1x8xi32>
    %sign3A_242 = arith.extui %sign3A_241 : vector<1x8xi1> to vector<1x8xi32>
    %sign3A_243 = arith.subi %sign3A_238, %sign3A_242 : vector<1x8xi32>
    %sign3A_244 = arith.constant 0 : i32
    %sign3A_245 = arith.cmpi sgt, %jit3A_232, %sign3A_244 : i32
    %sign3A_246 = arith.extui %sign3A_245 : i1 to i32
    %sign3A_247 = arith.constant 0 : i32
    %sign3A_248 = arith.cmpi slt, %jit3A_232, %sign3A_247 : i32
    %sign3A_249 = arith.extui %sign3A_248 : i1 to i32
    %sign3A_250 = arith.subi %sign3A_246, %sign3A_249 : i32
    %ne3A_251 = vector.broadcast %sign3A_250 : i32 to vector<1x8xi32>
    %ne3A_252 = arith.cmpi ne, %sign3A_243, %ne3A_251 : vector<1x8xi32>
    %rem3A_253 = vector.broadcast %jit3A_232 : i32 to vector<1x8xi32>
    %rem3A_254 = arith.remsi %sub3A_231, %rem3A_253 : vector<1x8xi32>
    %ne3A_255 = arith.constant 0 : i32
    %ne3A_256 = vector.broadcast %ne3A_255 : i32 to vector<1x8xi32>
    %ne3A_257 = arith.cmpi ne, %rem3A_254, %ne3A_256 : vector<1x8xi32>
    %and3A_258 = arith.andi %ne3A_252, %ne3A_257 : vector<1x8xi1>
    %sub3A_259 = arith.constant 1 : i32
    %sub3A_260 = vector.broadcast %sub3A_259 : i32 to vector<1x8xi32>
    %sub3A_261 = arith.subi %div3A_234, %sub3A_260 : vector<1x8xi32>
    %select_n3A_262 = arith.select %and3A_258, %sub3A_261, %div3A_234 : vector<1x8xi1>, vector<1x8xi32>
    %swap3A_263 = arith.constant 0 : index
    %swap3A_264 = arith.constant 0 : index
    %swap3A_265 = vector.load %arg8[%swap3A_263, %swap3A_264] : memref<1x8xi32, #tpu.memory_space<vmem>>, vector<1x8xi32>
    tpu.vector_store %arg8[%swap3A_263, %swap3A_264], %select_n3A_262 {strides = array<i32>} : memref<1x8xi32, #tpu.memory_space<vmem>>, vector<1x8xi32>,
    return
  }
}

module attributes {stable_mosaic.version = 14 : i64} {
  func.func @_ffn_body(%arg0: i32, %arg1: i32, %arg2: memref<8xi32, #tpu.memory_space<smem>>, %arg3: memref<8xi32, #tpu.memory_space<smem>>, %arg4: memref<4864x1024xf32, #tpu.memory_space<vmem>>, %arg5: memref<1x1024x512xf32, #tpu.memory_space<vmem>>, %arg6: memref<1x1x1x512xf32, #tpu.memory_space<vmem>>, %arg7: memref<1x512x1024xf32, #tpu.memory_space<vmem>>, %arg8: memref<1x1x1024xf32, #tpu.memory_space<vmem>>, %arg9: memref<4864x1xf32, #tpu.memory_space<vmem>>, %arg10: memref<4864x1024xf32, #tpu.memory_space<vmem>>) attributes {dimension_semantics = [#tpu.dimension_semantics<arbitrary>, #tpu.dimension_semantics<arbitrary>], iteration_bounds = array<i64: 8, 8>, scalar_prefetch = 0 : i64, scratch_operands = 0 : i64, tpu.core_type = #tpu.core_type<tc>, window_params = [{transform_indices = @transform_0, window_bounds = array<i64: 8>}, {transform_indices = @transform_1, window_bounds = array<i64: 8>}, {pipeline_mode = #tpu.pipeline_mode<synchronous>, transform_indices = @transform_2, window_bounds = array<i64: 4864, 1024>}, {transform_indices = @transform_3, window_bounds = array<i64: 1, 1024, 512>}, {transform_indices = @transform_4, window_bounds = array<i64: 1, 1, 1, 512>}, {transform_indices = @transform_5, window_bounds = array<i64: 1, 512, 1024>}, {transform_indices = @transform_6, window_bounds = array<i64: 1, 1, 1024>}, {pipeline_mode = #tpu.pipeline_mode<synchronous>, transform_indices = @transform_7, window_bounds = array<i64: 4864, 1>}, {pipeline_mode = #tpu.pipeline_mode<synchronous>, transform_indices = @transform_8, window_bounds = array<i64: 4864, 1024>}]} {
    %get3A = arith.index_cast %arg0 : i32 to index
    %get3A_0 = memref.load %arg2[%get3A] : memref<8xi32, #tpu.memory_space<smem>>
    %get3A_1 = arith.index_cast %arg0 : i32 to index
    %get3A_2 = memref.load %arg3[%get3A_1] : memref<8xi32, #tpu.memory_space<smem>>
    %gt3A = arith.constant 0 : i32
    %gt3A_3 = arith.cmpi sgt, %get3A_2, %gt3A : i32
    %convert_element_type3A = arith.extui %gt3A_3 : i1 to i32
    %cond3A = arith.constant 0 : i32
    %cond3A_4 = arith.cmpi ne, %convert_element_type3A, %cond3A : i32
    scf.if %cond3A_4 {
      %add3A = arith.constant 0 : i32
      %add3A_20 = arith.addi %get3A_0, %add3A : i32
      %multiple_of3A = tpu.assume_multiple %add3A_20, 8 : i32
      %get3A_21 = arith.index_cast %multiple_of3A : i32 to index
      %get3A_22 = arith.constant 0 : index
      %get3A_23 = vector.load %arg4[%get3A_21, %get3A_22] : memref<4864x1024xf32, #tpu.memory_space<vmem>>, vector<512x1024xf32>
      %get3A_24 = arith.constant 0 : index
      %get3A_25 = arith.constant 0 : index
      %get3A_26 = arith.constant 0 : index
      %get3A_27 = vector.load %arg5[%get3A_24, %get3A_25, %get3A_26] : memref<1x1024x512xf32, #tpu.memory_space<vmem>>, vector<1x1024x512xf32>
      %get3A_28 = vector.shape_cast %get3A_27 : vector<1x1024x512xf32> to vector<1024x512xf32>
      %dot_general3A = arith.constant dense<0.000000e+00> : vector<512x512xf32>
      %dot_general3A_29 = tpu.matmul %get3A_23, %get3A_28, %dot_general3A {dimension_numbers = #tpu.dot_dimension_numbers<[1], [0], [0], [1], [0, 0, 1, 1], [], []>, transpose_lhs_hint = false} : vector<512x1024xf32>, vector<1024x512xf32>, vector<512x512xf32> -> vector<512x512xf32>
      %get3A_30 = arith.constant 0 : index
      %get3A_31 = arith.constant 0 : index
      %get3A_32 = arith.constant 0 : index
      %get3A_33 = arith.constant 0 : index
      %get3A_34 = vector.load %arg6[%get3A_30, %get3A_31, %get3A_32, %get3A_33] : memref<1x1x1x512xf32, #tpu.memory_space<vmem>>, vector<1x1x1x512xf32>
      %get3A_35 = vector.shape_cast %get3A_34 : vector<1x1x1x512xf32> to vector<1x512xf32>
      %add3A_36 = vector.broadcast %get3A_35 : vector<1x512xf32> to vector<512x512xf32>
      %add3A_37 = arith.addf %dot_general3A_29, %add3A_36 : vector<512x512xf32>
      %max3A = arith.constant 0.000000e+00 : f32
      %max3A_38 = vector.broadcast %max3A : f32 to vector<512x512xf32>
      %max3A_39 = arith.maximumf %add3A_37, %max3A_38 : vector<512x512xf32>
      %get3A_40 = arith.constant 0 : index
      %get3A_41 = arith.constant 0 : index
      %get3A_42 = arith.constant 0 : index
      %get3A_43 = vector.load %arg7[%get3A_40, %get3A_41, %get3A_42] : memref<1x512x1024xf32, #tpu.memory_space<vmem>>, vector<1x512x1024xf32>
      %get3A_44 = vector.shape_cast %get3A_43 : vector<1x512x1024xf32> to vector<512x1024xf32>
      %dot_general3A_45 = arith.constant dense<0.000000e+00> : vector<512x1024xf32>
      %dot_general3A_46 = tpu.matmul %max3A_39, %get3A_44, %dot_general3A_45 {dimension_numbers = #tpu.dot_dimension_numbers<[1], [0], [0], [1], [0, 0, 1, 1], [], []>, transpose_lhs_hint = false} : vector<512x512xf32>, vector<512x1024xf32>, vector<512x1024xf32> -> vector<512x1024xf32>
      %eq3A = arith.constant 0 : i32
      %eq3A_47 = arith.cmpi eq, %arg1, %eq3A : i32
      %convert_element_type3A_48 = arith.extui %eq3A_47 : i1 to i32
      %cond3A_49 = arith.constant 0 : i32
      %cond3A_50 = arith.cmpi ne, %convert_element_type3A_48, %cond3A_49 : i32
      scf.if %cond3A_50 {
        %get3A_62 = arith.constant 0 : index
        %get3A_63 = arith.constant 0 : index
        %get3A_64 = arith.constant 0 : index
        %get3A_65 = vector.load %arg8[%get3A_62, %get3A_63, %get3A_64] : memref<1x1x1024xf32, #tpu.memory_space<vmem>>, vector<1x1x1024xf32>
        %get3A_66 = vector.shape_cast %get3A_65 : vector<1x1x1024xf32> to vector<1x1024xf32>
        %add3A_67 = vector.broadcast %get3A_66 : vector<1x1024xf32> to vector<512x1024xf32>
        %add3A_68 = arith.addf %dot_general3A_46, %add3A_67 : vector<512x1024xf32>
        %swap3A = arith.index_cast %multiple_of3A : i32 to index
        %swap3A_69 = arith.constant 0 : index
        %swap3A_70 = vector.load %arg10[%swap3A, %swap3A_69] : memref<4864x1024xf32, #tpu.memory_space<vmem>>, vector<512x1024xf32>
        tpu.vector_store %arg10[%swap3A, %swap3A_69], %add3A_68 {strides = array<i32>} : memref<4864x1024xf32, #tpu.memory_space<vmem>>, vector<512x1024xf32>,
      } else {
      }
      %gt3A_51 = arith.constant 0 : i32
      %gt3A_52 = arith.cmpi sgt, %arg1, %gt3A_51 : i32
      %lt3A = arith.constant 7 : i32
      %lt3A_53 = arith.cmpi slt, %arg1, %lt3A : i32
      %and3A = arith.andi %gt3A_52, %lt3A_53 : i1
      %convert_element_type3A_54 = arith.extui %and3A : i1 to i32
      %cond3A_55 = arith.constant 0 : i32
      %cond3A_56 = arith.cmpi ne, %convert_element_type3A_54, %cond3A_55 : i32
      scf.if %cond3A_56 {
        %get3A_62 = arith.index_cast %multiple_of3A : i32 to index
        %get3A_63 = arith.constant 0 : index
        %get3A_64 = vector.load %arg10[%get3A_62, %get3A_63] : memref<4864x1024xf32, #tpu.memory_space<vmem>>, vector<512x1024xf32>
        %add3A_65 = arith.addf %get3A_64, %dot_general3A_46 : vector<512x1024xf32>
        %swap3A = arith.index_cast %multiple_of3A : i32 to index
        %swap3A_66 = arith.constant 0 : index
        %swap3A_67 = vector.load %arg10[%swap3A, %swap3A_66] : memref<4864x1024xf32, #tpu.memory_space<vmem>>, vector<512x1024xf32>
        tpu.vector_store %arg10[%swap3A, %swap3A_66], %add3A_65 {strides = array<i32>} : memref<4864x1024xf32, #tpu.memory_space<vmem>>, vector<512x1024xf32>,
      } else {
      }
      %eq3A_57 = arith.constant 7 : i32
      %eq3A_58 = arith.cmpi eq, %arg1, %eq3A_57 : i32
      %convert_element_type3A_59 = arith.extui %eq3A_58 : i1 to i32
      %cond3A_60 = arith.constant 0 : i32
      %cond3A_61 = arith.cmpi ne, %convert_element_type3A_59, %cond3A_60 : i32
      scf.if %cond3A_61 {
        %get3A_62 = arith.index_cast %multiple_of3A : i32 to index
        %get3A_63 = arith.constant 0 : index
        %get3A_64 = vector.load %arg10[%get3A_62, %get3A_63] : memref<4864x1024xf32, #tpu.memory_space<vmem>>, vector<512x1024xf32>
        %add3A_65 = arith.addf %get3A_64, %dot_general3A_46 : vector<512x1024xf32>
        %get3A_66 = arith.index_cast %multiple_of3A : i32 to index
        %get3A_67 = arith.constant 0 : index
        %get3A_68 = vector.load %arg9[%get3A_66, %get3A_67] : memref<4864x1xf32, #tpu.memory_space<vmem>>, vector<512x1xf32>
        %mul3A = vector.broadcast %get3A_68 : vector<512x1xf32> to vector<512x1024xf32>
        %mul3A_69 = arith.mulf %add3A_65, %mul3A : vector<512x1024xf32>
        %swap3A = arith.index_cast %multiple_of3A : i32 to index
        %swap3A_70 = arith.constant 0 : index
        %swap3A_71 = vector.load %arg10[%swap3A, %swap3A_70] : memref<4864x1024xf32, #tpu.memory_space<vmem>>, vector<512x1024xf32>
        tpu.vector_store %arg10[%swap3A, %swap3A_70], %mul3A_69 {strides = array<i32>} : memref<4864x1024xf32, #tpu.memory_space<vmem>>, vector<512x1024xf32>,
      } else {
      }
    } else {
    }
    %gt3A_5 = arith.constant 1 : i32
    %gt3A_6 = arith.cmpi sgt, %get3A_2, %gt3A_5 : i32
    %convert_element_type3A_7 = arith.extui %gt3A_6 : i1 to i32
    %cond3A_8 = arith.constant 0 : i32
    %cond3A_9 = arith.cmpi ne, %convert_element_type3A_7, %cond3A_8 : i32
    scf.if %cond3A_9 {
      %add3A = arith.constant 512 : i32
      %add3A_20 = arith.addi %get3A_0, %add3A : i32
      %multiple_of3A = tpu.assume_multiple %add3A_20, 8 : i32
      %get3A_21 = arith.index_cast %multiple_of3A : i32 to index
      %get3A_22 = arith.constant 0 : index
      %get3A_23 = vector.load %arg4[%get3A_21, %get3A_22] : memref<4864x1024xf32, #tpu.memory_space<vmem>>, vector<512x1024xf32>
      %get3A_24 = arith.constant 0 : index
      %get3A_25 = arith.constant 0 : index
      %get3A_26 = arith.constant 0 : index
      %get3A_27 = vector.load %arg5[%get3A_24, %get3A_25, %get3A_26] : memref<1x1024x512xf32, #tpu.memory_space<vmem>>, vector<1x1024x512xf32>
      %get3A_28 = vector.shape_cast %get3A_27 : vector<1x1024x512xf32> to vector<1024x512xf32>
      %dot_general3A = arith.constant dense<0.000000e+00> : vector<512x512xf32>
      %dot_general3A_29 = tpu.matmul %get3A_23, %get3A_28, %dot_general3A {dimension_numbers = #tpu.dot_dimension_numbers<[1], [0], [0], [1], [0, 0, 1, 1], [], []>, transpose_lhs_hint = false} : vector<512x1024xf32>, vector<1024x512xf32>, vector<512x512xf32> -> vector<512x512xf32>
      %get3A_30 = arith.constant 0 : index
      %get3A_31 = arith.constant 0 : index
      %get3A_32 = arith.constant 0 : index
      %get3A_33 = arith.constant 0 : index
      %get3A_34 = vector.load %arg6[%get3A_30, %get3A_31, %get3A_32, %get3A_33] : memref<1x1x1x512xf32, #tpu.memory_space<vmem>>, vector<1x1x1x512xf32>
      %get3A_35 = vector.shape_cast %get3A_34 : vector<1x1x1x512xf32> to vector<1x512xf32>
      %add3A_36 = vector.broadcast %get3A_35 : vector<1x512xf32> to vector<512x512xf32>
      %add3A_37 = arith.addf %dot_general3A_29, %add3A_36 : vector<512x512xf32>
      %max3A = arith.constant 0.000000e+00 : f32
      %max3A_38 = vector.broadcast %max3A : f32 to vector<512x512xf32>
      %max3A_39 = arith.maximumf %add3A_37, %max3A_38 : vector<512x512xf32>
      %get3A_40 = arith.constant 0 : index
      %get3A_41 = arith.constant 0 : index
      %get3A_42 = arith.constant 0 : index
      %get3A_43 = vector.load %arg7[%get3A_40, %get3A_41, %get3A_42] : memref<1x512x1024xf32, #tpu.memory_space<vmem>>, vector<1x512x1024xf32>
      %get3A_44 = vector.shape_cast %get3A_43 : vector<1x512x1024xf32> to vector<512x1024xf32>
      %dot_general3A_45 = arith.constant dense<0.000000e+00> : vector<512x1024xf32>
      %dot_general3A_46 = tpu.matmul %max3A_39, %get3A_44, %dot_general3A_45 {dimension_numbers = #tpu.dot_dimension_numbers<[1], [0], [0], [1], [0, 0, 1, 1], [], []>, transpose_lhs_hint = false} : vector<512x512xf32>, vector<512x1024xf32>, vector<512x1024xf32> -> vector<512x1024xf32>
      %eq3A = arith.constant 0 : i32
      %eq3A_47 = arith.cmpi eq, %arg1, %eq3A : i32
      %convert_element_type3A_48 = arith.extui %eq3A_47 : i1 to i32
      %cond3A_49 = arith.constant 0 : i32
      %cond3A_50 = arith.cmpi ne, %convert_element_type3A_48, %cond3A_49 : i32
      scf.if %cond3A_50 {
        %get3A_62 = arith.constant 0 : index
        %get3A_63 = arith.constant 0 : index
        %get3A_64 = arith.constant 0 : index
        %get3A_65 = vector.load %arg8[%get3A_62, %get3A_63, %get3A_64] : memref<1x1x1024xf32, #tpu.memory_space<vmem>>, vector<1x1x1024xf32>
        %get3A_66 = vector.shape_cast %get3A_65 : vector<1x1x1024xf32> to vector<1x1024xf32>
        %add3A_67 = vector.broadcast %get3A_66 : vector<1x1024xf32> to vector<512x1024xf32>
        %add3A_68 = arith.addf %dot_general3A_46, %add3A_67 : vector<512x1024xf32>
        %swap3A = arith.index_cast %multiple_of3A : i32 to index
        %swap3A_69 = arith.constant 0 : index
        %swap3A_70 = vector.load %arg10[%swap3A, %swap3A_69] : memref<4864x1024xf32, #tpu.memory_space<vmem>>, vector<512x1024xf32>
        tpu.vector_store %arg10[%swap3A, %swap3A_69], %add3A_68 {strides = array<i32>} : memref<4864x1024xf32, #tpu.memory_space<vmem>>, vector<512x1024xf32>,
      } else {
      }
      %gt3A_51 = arith.constant 0 : i32
      %gt3A_52 = arith.cmpi sgt, %arg1, %gt3A_51 : i32
      %lt3A = arith.constant 7 : i32
      %lt3A_53 = arith.cmpi slt, %arg1, %lt3A : i32
      %and3A = arith.andi %gt3A_52, %lt3A_53 : i1
      %convert_element_type3A_54 = arith.extui %and3A : i1 to i32
      %cond3A_55 = arith.constant 0 : i32
      %cond3A_56 = arith.cmpi ne, %convert_element_type3A_54, %cond3A_55 : i32
      scf.if %cond3A_56 {
        %get3A_62 = arith.index_cast %multiple_of3A : i32 to index
        %get3A_63 = arith.constant 0 : index
        %get3A_64 = vector.load %arg10[%get3A_62, %get3A_63] : memref<4864x1024xf32, #tpu.memory_space<vmem>>, vector<512x1024xf32>
        %add3A_65 = arith.addf %get3A_64, %dot_general3A_46 : vector<512x1024xf32>
        %swap3A = arith.index_cast %multiple_of3A : i32 to index
        %swap3A_66 = arith.constant 0 : index
        %swap3A_67 = vector.load %arg10[%swap3A, %swap3A_66] : memref<4864x1024xf32, #tpu.memory_space<vmem>>, vector<512x1024xf32>
        tpu.vector_store %arg10[%swap3A, %swap3A_66], %add3A_65 {strides = array<i32>} : memref<4864x1024xf32, #tpu.memory_space<vmem>>, vector<512x1024xf32>,
      } else {
      }
      %eq3A_57 = arith.constant 7 : i32
      %eq3A_58 = arith.cmpi eq, %arg1, %eq3A_57 : i32
      %convert_element_type3A_59 = arith.extui %eq3A_58 : i1 to i32
      %cond3A_60 = arith.constant 0 : i32
      %cond3A_61 = arith.cmpi ne, %convert_element_type3A_59, %cond3A_60 : i32
      scf.if %cond3A_61 {
        %get3A_62 = arith.index_cast %multiple_of3A : i32 to index
        %get3A_63 = arith.constant 0 : index
        %get3A_64 = vector.load %arg10[%get3A_62, %get3A_63] : memref<4864x1024xf32, #tpu.memory_space<vmem>>, vector<512x1024xf32>
        %add3A_65 = arith.addf %get3A_64, %dot_general3A_46 : vector<512x1024xf32>
        %get3A_66 = arith.index_cast %multiple_of3A : i32 to index
        %get3A_67 = arith.constant 0 : index
        %get3A_68 = vector.load %arg9[%get3A_66, %get3A_67] : memref<4864x1xf32, #tpu.memory_space<vmem>>, vector<512x1xf32>
        %mul3A = vector.broadcast %get3A_68 : vector<512x1xf32> to vector<512x1024xf32>
        %mul3A_69 = arith.mulf %add3A_65, %mul3A : vector<512x1024xf32>
        %swap3A = arith.index_cast %multiple_of3A : i32 to index
        %swap3A_70 = arith.constant 0 : index
        %swap3A_71 = vector.load %arg10[%swap3A, %swap3A_70] : memref<4864x1024xf32, #tpu.memory_space<vmem>>, vector<512x1024xf32>
        tpu.vector_store %arg10[%swap3A, %swap3A_70], %mul3A_69 {strides = array<i32>} : memref<4864x1024xf32, #tpu.memory_space<vmem>>, vector<512x1024xf32>,
      } else {
      }
    } else {
    }
    %gt3A_10 = arith.constant 2 : i32
    %gt3A_11 = arith.cmpi sgt, %get3A_2, %gt3A_10 : i32
    %convert_element_type3A_12 = arith.extui %gt3A_11 : i1 to i32
    %cond3A_13 = arith.constant 0 : i32
    %cond3A_14 = arith.cmpi ne, %convert_element_type3A_12, %cond3A_13 : i32
    scf.if %cond3A_14 {
      %add3A = arith.constant 1024 : i32
      %add3A_20 = arith.addi %get3A_0, %add3A : i32
      %multiple_of3A = tpu.assume_multiple %add3A_20, 8 : i32
      %get3A_21 = arith.index_cast %multiple_of3A : i32 to index
      %get3A_22 = arith.constant 0 : index
      %get3A_23 = vector.load %arg4[%get3A_21, %get3A_22] : memref<4864x1024xf32, #tpu.memory_space<vmem>>, vector<512x1024xf32>
      %get3A_24 = arith.constant 0 : index
      %get3A_25 = arith.constant 0 : index
      %get3A_26 = arith.constant 0 : index
      %get3A_27 = vector.load %arg5[%get3A_24, %get3A_25, %get3A_26] : memref<1x1024x512xf32, #tpu.memory_space<vmem>>, vector<1x1024x512xf32>
      %get3A_28 = vector.shape_cast %get3A_27 : vector<1x1024x512xf32> to vector<1024x512xf32>
      %dot_general3A = arith.constant dense<0.000000e+00> : vector<512x512xf32>
      %dot_general3A_29 = tpu.matmul %get3A_23, %get3A_28, %dot_general3A {dimension_numbers = #tpu.dot_dimension_numbers<[1], [0], [0], [1], [0, 0, 1, 1], [], []>, transpose_lhs_hint = false} : vector<512x1024xf32>, vector<1024x512xf32>, vector<512x512xf32> -> vector<512x512xf32>
      %get3A_30 = arith.constant 0 : index
      %get3A_31 = arith.constant 0 : index
      %get3A_32 = arith.constant 0 : index
      %get3A_33 = arith.constant 0 : index
      %get3A_34 = vector.load %arg6[%get3A_30, %get3A_31, %get3A_32, %get3A_33] : memref<1x1x1x512xf32, #tpu.memory_space<vmem>>, vector<1x1x1x512xf32>
      %get3A_35 = vector.shape_cast %get3A_34 : vector<1x1x1x512xf32> to vector<1x512xf32>
      %add3A_36 = vector.broadcast %get3A_35 : vector<1x512xf32> to vector<512x512xf32>
      %add3A_37 = arith.addf %dot_general3A_29, %add3A_36 : vector<512x512xf32>
      %max3A = arith.constant 0.000000e+00 : f32
      %max3A_38 = vector.broadcast %max3A : f32 to vector<512x512xf32>
      %max3A_39 = arith.maximumf %add3A_37, %max3A_38 : vector<512x512xf32>
      %get3A_40 = arith.constant 0 : index
      %get3A_41 = arith.constant 0 : index
      %get3A_42 = arith.constant 0 : index
      %get3A_43 = vector.load %arg7[%get3A_40, %get3A_41, %get3A_42] : memref<1x512x1024xf32, #tpu.memory_space<vmem>>, vector<1x512x1024xf32>
      %get3A_44 = vector.shape_cast %get3A_43 : vector<1x512x1024xf32> to vector<512x1024xf32>
      %dot_general3A_45 = arith.constant dense<0.000000e+00> : vector<512x1024xf32>
      %dot_general3A_46 = tpu.matmul %max3A_39, %get3A_44, %dot_general3A_45 {dimension_numbers = #tpu.dot_dimension_numbers<[1], [0], [0], [1], [0, 0, 1, 1], [], []>, transpose_lhs_hint = false} : vector<512x512xf32>, vector<512x1024xf32>, vector<512x1024xf32> -> vector<512x1024xf32>
      %eq3A = arith.constant 0 : i32
      %eq3A_47 = arith.cmpi eq, %arg1, %eq3A : i32
      %convert_element_type3A_48 = arith.extui %eq3A_47 : i1 to i32
      %cond3A_49 = arith.constant 0 : i32
      %cond3A_50 = arith.cmpi ne, %convert_element_type3A_48, %cond3A_49 : i32
      scf.if %cond3A_50 {
        %get3A_62 = arith.constant 0 : index
        %get3A_63 = arith.constant 0 : index
        %get3A_64 = arith.constant 0 : index
        %get3A_65 = vector.load %arg8[%get3A_62, %get3A_63, %get3A_64] : memref<1x1x1024xf32, #tpu.memory_space<vmem>>, vector<1x1x1024xf32>
        %get3A_66 = vector.shape_cast %get3A_65 : vector<1x1x1024xf32> to vector<1x1024xf32>
        %add3A_67 = vector.broadcast %get3A_66 : vector<1x1024xf32> to vector<512x1024xf32>
        %add3A_68 = arith.addf %dot_general3A_46, %add3A_67 : vector<512x1024xf32>
        %swap3A = arith.index_cast %multiple_of3A : i32 to index
        %swap3A_69 = arith.constant 0 : index
        %swap3A_70 = vector.load %arg10[%swap3A, %swap3A_69] : memref<4864x1024xf32, #tpu.memory_space<vmem>>, vector<512x1024xf32>
        tpu.vector_store %arg10[%swap3A, %swap3A_69], %add3A_68 {strides = array<i32>} : memref<4864x1024xf32, #tpu.memory_space<vmem>>, vector<512x1024xf32>,
      } else {
      }
      %gt3A_51 = arith.constant 0 : i32
      %gt3A_52 = arith.cmpi sgt, %arg1, %gt3A_51 : i32
      %lt3A = arith.constant 7 : i32
      %lt3A_53 = arith.cmpi slt, %arg1, %lt3A : i32
      %and3A = arith.andi %gt3A_52, %lt3A_53 : i1
      %convert_element_type3A_54 = arith.extui %and3A : i1 to i32
      %cond3A_55 = arith.constant 0 : i32
      %cond3A_56 = arith.cmpi ne, %convert_element_type3A_54, %cond3A_55 : i32
      scf.if %cond3A_56 {
        %get3A_62 = arith.index_cast %multiple_of3A : i32 to index
        %get3A_63 = arith.constant 0 : index
        %get3A_64 = vector.load %arg10[%get3A_62, %get3A_63] : memref<4864x1024xf32, #tpu.memory_space<vmem>>, vector<512x1024xf32>
        %add3A_65 = arith.addf %get3A_64, %dot_general3A_46 : vector<512x1024xf32>
        %swap3A = arith.index_cast %multiple_of3A : i32 to index
        %swap3A_66 = arith.constant 0 : index
        %swap3A_67 = vector.load %arg10[%swap3A, %swap3A_66] : memref<4864x1024xf32, #tpu.memory_space<vmem>>, vector<512x1024xf32>
        tpu.vector_store %arg10[%swap3A, %swap3A_66], %add3A_65 {strides = array<i32>} : memref<4864x1024xf32, #tpu.memory_space<vmem>>, vector<512x1024xf32>,
      } else {
      }
      %eq3A_57 = arith.constant 7 : i32
      %eq3A_58 = arith.cmpi eq, %arg1, %eq3A_57 : i32
      %convert_element_type3A_59 = arith.extui %eq3A_58 : i1 to i32
      %cond3A_60 = arith.constant 0 : i32
      %cond3A_61 = arith.cmpi ne, %convert_element_type3A_59, %cond3A_60 : i32
      scf.if %cond3A_61 {
        %get3A_62 = arith.index_cast %multiple_of3A : i32 to index
        %get3A_63 = arith.constant 0 : index
        %get3A_64 = vector.load %arg10[%get3A_62, %get3A_63] : memref<4864x1024xf32, #tpu.memory_space<vmem>>, vector<512x1024xf32>
        %add3A_65 = arith.addf %get3A_64, %dot_general3A_46 : vector<512x1024xf32>
        %get3A_66 = arith.index_cast %multiple_of3A : i32 to index
        %get3A_67 = arith.constant 0 : index
        %get3A_68 = vector.load %arg9[%get3A_66, %get3A_67] : memref<4864x1xf32, #tpu.memory_space<vmem>>, vector<512x1xf32>
        %mul3A = vector.broadcast %get3A_68 : vector<512x1xf32> to vector<512x1024xf32>
        %mul3A_69 = arith.mulf %add3A_65, %mul3A : vector<512x1024xf32>
        %swap3A = arith.index_cast %multiple_of3A : i32 to index
        %swap3A_70 = arith.constant 0 : index
        %swap3A_71 = vector.load %arg10[%swap3A, %swap3A_70] : memref<4864x1024xf32, #tpu.memory_space<vmem>>, vector<512x1024xf32>
        tpu.vector_store %arg10[%swap3A, %swap3A_70], %mul3A_69 {strides = array<i32>} : memref<4864x1024xf32, #tpu.memory_space<vmem>>, vector<512x1024xf32>,
      } else {
      }
    } else {
    }
    %gt3A_15 = arith.constant 3 : i32
    %gt3A_16 = arith.cmpi sgt, %get3A_2, %gt3A_15 : i32
    %convert_element_type3A_17 = arith.extui %gt3A_16 : i1 to i32
    %cond3A_18 = arith.constant 0 : i32
    %cond3A_19 = arith.cmpi ne, %convert_element_type3A_17, %cond3A_18 : i32
    scf.if %cond3A_19 {
      %add3A = arith.constant 1536 : i32
      %add3A_20 = arith.addi %get3A_0, %add3A : i32
      %multiple_of3A = tpu.assume_multiple %add3A_20, 8 : i32
      %get3A_21 = arith.index_cast %multiple_of3A : i32 to index
      %get3A_22 = arith.constant 0 : index
      %get3A_23 = vector.load %arg4[%get3A_21, %get3A_22] : memref<4864x1024xf32, #tpu.memory_space<vmem>>, vector<512x1024xf32>
      %get3A_24 = arith.constant 0 : index
      %get3A_25 = arith.constant 0 : index
      %get3A_26 = arith.constant 0 : index
      %get3A_27 = vector.load %arg5[%get3A_24, %get3A_25, %get3A_26] : memref<1x1024x512xf32, #tpu.memory_space<vmem>>, vector<1x1024x512xf32>
      %get3A_28 = vector.shape_cast %get3A_27 : vector<1x1024x512xf32> to vector<1024x512xf32>
      %dot_general3A = arith.constant dense<0.000000e+00> : vector<512x512xf32>
      %dot_general3A_29 = tpu.matmul %get3A_23, %get3A_28, %dot_general3A {dimension_numbers = #tpu.dot_dimension_numbers<[1], [0], [0], [1], [0, 0, 1, 1], [], []>, transpose_lhs_hint = false} : vector<512x1024xf32>, vector<1024x512xf32>, vector<512x512xf32> -> vector<512x512xf32>
      %get3A_30 = arith.constant 0 : index
      %get3A_31 = arith.constant 0 : index
      %get3A_32 = arith.constant 0 : index
      %get3A_33 = arith.constant 0 : index
      %get3A_34 = vector.load %arg6[%get3A_30, %get3A_31, %get3A_32, %get3A_33] : memref<1x1x1x512xf32, #tpu.memory_space<vmem>>, vector<1x1x1x512xf32>
      %get3A_35 = vector.shape_cast %get3A_34 : vector<1x1x1x512xf32> to vector<1x512xf32>
      %add3A_36 = vector.broadcast %get3A_35 : vector<1x512xf32> to vector<512x512xf32>
      %add3A_37 = arith.addf %dot_general3A_29, %add3A_36 : vector<512x512xf32>
      %max3A = arith.constant 0.000000e+00 : f32
      %max3A_38 = vector.broadcast %max3A : f32 to vector<512x512xf32>
      %max3A_39 = arith.maximumf %add3A_37, %max3A_38 : vector<512x512xf32>
      %get3A_40 = arith.constant 0 : index
      %get3A_41 = arith.constant 0 : index
      %get3A_42 = arith.constant 0 : index
      %get3A_43 = vector.load %arg7[%get3A_40, %get3A_41, %get3A_42] : memref<1x512x1024xf32, #tpu.memory_space<vmem>>, vector<1x512x1024xf32>
      %get3A_44 = vector.shape_cast %get3A_43 : vector<1x512x1024xf32> to vector<512x1024xf32>
      %dot_general3A_45 = arith.constant dense<0.000000e+00> : vector<512x1024xf32>
      %dot_general3A_46 = tpu.matmul %max3A_39, %get3A_44, %dot_general3A_45 {dimension_numbers = #tpu.dot_dimension_numbers<[1], [0], [0], [1], [0, 0, 1, 1], [], []>, transpose_lhs_hint = false} : vector<512x512xf32>, vector<512x1024xf32>, vector<512x1024xf32> -> vector<512x1024xf32>
      %eq3A = arith.constant 0 : i32
      %eq3A_47 = arith.cmpi eq, %arg1, %eq3A : i32
      %convert_element_type3A_48 = arith.extui %eq3A_47 : i1 to i32
      %cond3A_49 = arith.constant 0 : i32
      %cond3A_50 = arith.cmpi ne, %convert_element_type3A_48, %cond3A_49 : i32
      scf.if %cond3A_50 {
        %get3A_62 = arith.constant 0 : index
        %get3A_63 = arith.constant 0 : index
        %get3A_64 = arith.constant 0 : index
        %get3A_65 = vector.load %arg8[%get3A_62, %get3A_63, %get3A_64] : memref<1x1x1024xf32, #tpu.memory_space<vmem>>, vector<1x1x1024xf32>
        %get3A_66 = vector.shape_cast %get3A_65 : vector<1x1x1024xf32> to vector<1x1024xf32>
        %add3A_67 = vector.broadcast %get3A_66 : vector<1x1024xf32> to vector<512x1024xf32>
        %add3A_68 = arith.addf %dot_general3A_46, %add3A_67 : vector<512x1024xf32>
        %swap3A = arith.index_cast %multiple_of3A : i32 to index
        %swap3A_69 = arith.constant 0 : index
        %swap3A_70 = vector.load %arg10[%swap3A, %swap3A_69] : memref<4864x1024xf32, #tpu.memory_space<vmem>>, vector<512x1024xf32>
        tpu.vector_store %arg10[%swap3A, %swap3A_69], %add3A_68 {strides = array<i32>} : memref<4864x1024xf32, #tpu.memory_space<vmem>>, vector<512x1024xf32>,
      } else {
      }
      %gt3A_51 = arith.constant 0 : i32
      %gt3A_52 = arith.cmpi sgt, %arg1, %gt3A_51 : i32
      %lt3A = arith.constant 7 : i32
      %lt3A_53 = arith.cmpi slt, %arg1, %lt3A : i32
      %and3A = arith.andi %gt3A_52, %lt3A_53 : i1
      %convert_element_type3A_54 = arith.extui %and3A : i1 to i32
      %cond3A_55 = arith.constant 0 : i32
      %cond3A_56 = arith.cmpi ne, %convert_element_type3A_54, %cond3A_55 : i32
      scf.if %cond3A_56 {
        %get3A_62 = arith.index_cast %multiple_of3A : i32 to index
        %get3A_63 = arith.constant 0 : index
        %get3A_64 = vector.load %arg10[%get3A_62, %get3A_63] : memref<4864x1024xf32, #tpu.memory_space<vmem>>, vector<512x1024xf32>
        %add3A_65 = arith.addf %get3A_64, %dot_general3A_46 : vector<512x1024xf32>
        %swap3A = arith.index_cast %multiple_of3A : i32 to index
        %swap3A_66 = arith.constant 0 : index
        %swap3A_67 = vector.load %arg10[%swap3A, %swap3A_66] : memref<4864x1024xf32, #tpu.memory_space<vmem>>, vector<512x1024xf32>
        tpu.vector_store %arg10[%swap3A, %swap3A_66], %add3A_65 {strides = array<i32>} : memref<4864x1024xf32, #tpu.memory_space<vmem>>, vector<512x1024xf32>,
      } else {
      }
      %eq3A_57 = arith.constant 7 : i32
      %eq3A_58 = arith.cmpi eq, %arg1, %eq3A_57 : i32
      %convert_element_type3A_59 = arith.extui %eq3A_58 : i1 to i32
      %cond3A_60 = arith.constant 0 : i32
      %cond3A_61 = arith.cmpi ne, %convert_element_type3A_59, %cond3A_60 : i32
      scf.if %cond3A_61 {
        %get3A_62 = arith.index_cast %multiple_of3A : i32 to index
        %get3A_63 = arith.constant 0 : index
        %get3A_64 = vector.load %arg10[%get3A_62, %get3A_63] : memref<4864x1024xf32, #tpu.memory_space<vmem>>, vector<512x1024xf32>
        %add3A_65 = arith.addf %get3A_64, %dot_general3A_46 : vector<512x1024xf32>
        %get3A_66 = arith.index_cast %multiple_of3A : i32 to index
        %get3A_67 = arith.constant 0 : index
        %get3A_68 = vector.load %arg9[%get3A_66, %get3A_67] : memref<4864x1xf32, #tpu.memory_space<vmem>>, vector<512x1xf32>
        %mul3A = vector.broadcast %get3A_68 : vector<512x1xf32> to vector<512x1024xf32>
        %mul3A_69 = arith.mulf %add3A_65, %mul3A : vector<512x1024xf32>
        %swap3A = arith.index_cast %multiple_of3A : i32 to index
        %swap3A_70 = arith.constant 0 : index
        %swap3A_71 = vector.load %arg10[%swap3A, %swap3A_70] : memref<4864x1024xf32, #tpu.memory_space<vmem>>, vector<512x1024xf32>
        tpu.vector_store %arg10[%swap3A, %swap3A_70], %mul3A_69 {strides = array<i32>} : memref<4864x1024xf32, #tpu.memory_space<vmem>>, vector<512x1024xf32>,
      } else {
      }
    } else {
    }
    return
  }
  func.func @transform_0(%arg0: i32, %arg1: i32) -> i32 {
    %c0_i32 = arith.constant 0 : i32
    %c0_i32_0 = arith.constant 0 : i32
    return %c0_i32 : i32
  }
  func.func @transform_1(%arg0: i32, %arg1: i32) -> i32 {
    %c0_i32 = arith.constant 0 : i32
    %c0_i32_0 = arith.constant 0 : i32
    return %c0_i32 : i32
  }
  func.func @transform_2(%arg0: i32, %arg1: i32) -> (i32, i32) {
    %c0_i32 = arith.constant 0 : i32
    %c0_i32_0 = arith.constant 0 : i32
    %c0_i32_1 = arith.constant 0 : i32
    return %c0_i32, %c0_i32_0 : i32, i32
  }
  func.func @transform_3(%arg0: i32, %arg1: i32) -> (i32, i32, i32) {
    %c0_i32 = arith.constant 0 : i32
    %c0_i32_0 = arith.constant 0 : i32
    return %arg0, %c0_i32, %arg1 : i32, i32, i32
  }
  func.func @transform_4(%arg0: i32, %arg1: i32) -> (i32, i32, i32, i32) {
    %c0_i32 = arith.constant 0 : i32
    %c0_i32_0 = arith.constant 0 : i32
    %c0_i32_1 = arith.constant 0 : i32
    return %arg0, %arg1, %c0_i32, %c0_i32_0 : i32, i32, i32, i32
  }
  func.func @transform_5(%arg0: i32, %arg1: i32) -> (i32, i32, i32) {
    %c0_i32 = arith.constant 0 : i32
    %c0_i32_0 = arith.constant 0 : i32
    return %arg0, %arg1, %c0_i32 : i32, i32, i32
  }
  func.func @transform_6(%arg0: i32, %arg1: i32) -> (i32, i32, i32) {
    %c0_i32 = arith.constant 0 : i32
    %c0_i32_0 = arith.constant 0 : i32
    %c0_i32_1 = arith.constant 0 : i32
    return %arg0, %c0_i32, %c0_i32_0 : i32, i32, i32
  }
  func.func @transform_7(%arg0: i32, %arg1: i32) -> (i32, i32) {
    %c0_i32 = arith.constant 0 : i32
    %c0_i32_0 = arith.constant 0 : i32
    %c0_i32_1 = arith.constant 0 : i32
    return %c0_i32, %c0_i32_0 : i32, i32
  }
  func.func @transform_8(%arg0: i32, %arg1: i32) -> (i32, i32) {
    %c0_i32 = arith.constant 0 : i32
    %c0_i32_0 = arith.constant 0 : i32
    %c0_i32_1 = arith.constant 0 : i32
    return %c0_i32, %c0_i32_0 : i32, i32
  }
}

</mosaic_0001>

<sc_bundles>
// kernel: gather_offload_async_start.1
scs
__scs_entry_jumppad:
0x0: {  	(pc) =	sbr.rel $0x88, $3  }
0x1: {  	(tag) =	ssettag $0x0;
	lr =	simm.s32 $0x1  }
0x2: {  	[smem:$0x3F9A] =	sst lr;
	_ =	strace $0xD0000000  }
0x3: {  	_ = 	snop  }
0x4: {  	_ = 	snop  }
0x5: {  	_ = 	snop  }
0x6: {  	_ = 	snop  }
0x7: {  	_ = 	snop  }
__scs_overlays_trampoline_lowered:
0x8: {  	[smem:$0x3FA9] =	sst s0  }
0x9: {  	[smem:$0x3FAA] =	sst s1  }
0xa: {  	[smem:$0x3FAB] =	sst s2  }
0xb: {  	[smem:$0x3FAC] =	sst s3  }
0xc: {  	[smem:$0x3FAD] =	sst s4  }
0xd: {  	[smem:$0x3FAE] =	sst s5  }
0xe: {  	[smem:$0x3FAF] =	sst s6  }
0xf: {  	[smem:$0x3FB0] =	sst s7  }
0x10: {  	[smem:$0x3FB1] =	sst s8  }
0x11: {  	[smem:$0x3FB2] =	sst s9;
	s0 =	simm.s32 @!p0 $0x0  }
0x12: {  	s1 =	sld [smem:$0x3F98];
	s0 =	simm.s32 @p0 $0x1  }
0x13: {  	[smem:$0x3FB3] =	sst s0;
	s0 =	simm.s32 @!p1 $0x0  }
0x14: {  	s2 =	sld [smem:$0x3F97];
	s0 =	simm.s32 @p1 $0x1  }
0x15: {  	[smem:$0x3FB4] =	sst s0;
	s0 =	simm.s32 @!p2 $0x0  }
0x16: {  	s3 =	sld [smem:$0x3FDB];
	s0 =	simm.s32 @p2 $0x1  }
0x17: {  	s4 =	simm.s32 $0x1BF5;
	[smem:$0x3FB6] =	sst s0  }
0x18: {  	s0 =	sld [smem:$0x3F99];
	_ =	swait.ge [sflag:s4], $0x0  }
0x19: {  	s7 =	sld [smem:$0x3F9A]  }
0x1a: {  	s8 =	sadd.s32 $0xFFFFE003, lr  }
0x1b: {  	s9 =	sadd.s32 $0xFFFFFEF7, lr;
	s5 =	simm.s32 $0xFFFFFFFF;
	p2 =	slt.u32 s8, $0xFFFFF086  }
0x1c: {  	p1 =	slt.u32 s9, $0xF7A;
	s5 =	simm.s32 @!p2 $0x0  }
0x1d: {  	s5 =	simm.s32 @p1 $0x1;
	p0 =	seq.s32 s7, s2  }
0x1e: {  	s7 =	smul.u32 @!p0 $0xF7A, s2;
	p2 =	seq.s32 @!p0 s5, $0x0  }
0x1f: {  	s9 =	smul.u32 $0xF7A, s1;
	s8 =	simm.s32 @!p0 $0x1BF5;
	p2 =	por !p2, p0  }
0x20: {  	[sflag:s8] =	ssyncset.s32 @!p0 $0xFFFFF086;
	s6 =	sadd.s32 @!p0 s3, s7;
	s7 =	simm.s32 @!p0 $0x108  }
0x21: {  	s3 =	sadd.s32 s3, s9;
	s6 =	sadd.s32 @!p0 $0x88, s6;
	s7 =	simm.s32 @p2 $0x1082  }
0x22: {  	[simem:s7], [sflag:s8] =	dma.local @!p0 [hbm:s6], $0xF7A  }
0x23: {  	s9 =	sor.u32 $0xD0000000, s2;
	s6 =	simm.s32 $0x108;
	_ =	swait.ge @!p0 [sflag:s8], $0x0  }
0x24: {  	s3 =	sadd.s32 $0x88, s3;
	s6 =	simm.s32 @!p1 $0x1082;
	[sflag:s4] =	ssyncset.s32 $0xFFFFF086  }
0x25: {  	[simem:s6], [sflag:s4] =	dma.local [hbm:s3], $0xF7A  }
0x26: {  	[smem:$0x3F9A] =	sst s1;
	(tag) =	ssettag s2;
	_ =	strace s9  }
0x27: {  	s1 =	sld [smem:$0x3FAA]  }
0x28: {  	s2 =	sld [smem:$0x3FAB]  }
0x29: {  	s4 =	sld [smem:$0x3FAD]  }
0x2a: {  	p0 =	seq.s32 s5, $0x0;
	s5 =	sld [smem:$0x3FAE]  }
0x2b: {  	s6 =	sld [smem:$0x3FAF]  }
0x2c: {  	s7 =	sld [smem:$0x3FB0]  }
0x2d: {  	s3 =	simm.s32 $0x108;
	s8 =	sld [smem:$0x3FB1]  }
0x2e: {  	s3 =	simm.s32 @!p0 $0x1082;
	s9 =	sld [smem:$0x3FB2]  }
0x2f: {  	lr =	sadd.s32 s0, s3;
	s0 =	sld [smem:$0x3FA9]  }
0x30: {  	s3 =	sld [smem:$0x3FAC]  }
0x31: {  	[smem:$0x3FB5] =	sst s10  }
0x32: {  	s10 =	sld [smem:$0x3FB3];
	_ =	sdelay $0x3  }
0x33: {  	p0 =	seq.s32 s10, $0x1;
	s10 =	sld [smem:$0x3FB5];
	_ =	sdelay $0x3  }
0x34: {  	[smem:$0x3FB5] =	sst s10  }
0x35: {  	s10 =	sld [smem:$0x3FB4];
	_ =	sdelay $0x3  }
0x36: {  	p1 =	seq.s32 s10, $0x1;
	s10 =	sld [smem:$0x3FB5];
	_ =	sdelay $0x3  }
0x37: {  	[smem:$0x3FB5] =	sst s10  }
0x38: {  	s10 =	sld [smem:$0x3FB6]  }
0x39: {  	_ = 	snop;
	(pc) =	sbr.ind lr, $3  }
0x3a: {  	_ = 	snop  }
0x3b: {  	_ = 	snop  }
0x3c: {  	p2 =	seq.s32 s10, $0x1;
	s10 =	sld [smem:$0x3FB5]  }
0x3d: {  	_ =	shalt  }
0x3e: {  	_ =	shalt  }
0x3f: {  	_ =	shalt  }
0x40: {  	_ =	shalt  }
0x41: {  	_ =	shalt  }
0x42: {  	_ =	shalt  }
0x43: {  	_ =	shalt  }
0x44: {  	_ =	shalt  }
0x45: {  	_ =	shalt  }
0x46: {  	_ =	shalt  }
0x47: {  	_ =	shalt  }
0x48: {  	_ =	shalt  }
0x49: {  	_ =	shalt  }
0x4a: {  	_ =	shalt  }
0x4b: {  	_ =	shalt  }
0x4c: {  	_ =	shalt  }
0x4d: {  	_ =	shalt  }
0x4e: {  	_ =	shalt  }
0x4f: {  	_ =	shalt  }
0x50: {  	_ =	shalt  }
0x51: {  	_ =	shalt  }
0x52: {  	_ =	shalt  }
0x53: {  	_ =	shalt  }
0x54: {  	_ =	shalt  }
0x55: {  	_ =	shalt  }
0x56: {  	_ =	shalt  }
0x57: {  	_ =	shalt  }
0x58: {  	_ =	shalt  }
0x59: {  	_ =	shalt  }
0x5a: {  	_ =	shalt  }
0x5b: {  	_ =	shalt  }
0x5c: {  	_ =	shalt  }
0x5d: {  	_ =	shalt  }
0x5e: {  	_ =	shalt  }
0x5f: {  	_ =	shalt  }
0x60: {  	_ =	shalt  }
0x61: {  	_ =	shalt  }
0x62: {  	_ =	shalt  }
0x63: {  	_ =	shalt  }
0x64: {  	_ =	shalt  }
0x65: {  	_ =	shalt  }
0x66: {  	_ =	shalt  }
0x67: {  	_ =	shalt  }
0x68: {  	_ =	shalt  }
0x69: {  	_ =	shalt  }
0x6a: {  	_ =	shalt  }
0x6b: {  	_ =	shalt  }
0x6c: {  	_ =	shalt  }
0x6d: {  	_ =	shalt  }
0x6e: {  	_ =	shalt  }
0x6f: {  	_ =	shalt  }
0x70: {  	_ =	shalt  }
0x71: {  	_ =	shalt  }
0x72: {  	_ =	shalt  }
0x73: {  	_ =	shalt  }
0x74: {  	_ =	shalt  }
0x75: {  	_ =	shalt  }
0x76: {  	_ =	shalt  }
0x77: {  	_ =	shalt  }
0x78: {  	_ =	shalt  }
0x79: {  	_ =	shalt  }
0x7a: {  	_ =	shalt  }
0x7b: {  	_ =	shalt  }
0x7c: {  	_ =	shalt  }
0x7d: {  	_ =	shalt  }
0x7e: {  	_ =	shalt  }
0x7f: {  	_ =	shalt  }
0x80: {  	_ =	shalt  }
0x81: {  	_ =	shalt  }
0x82: {  	_ =	shalt  }
0x83: {  	_ =	shalt  }
0x84: {  	_ =	shalt  }
0x85: {  	_ =	shalt  }
0x86: {  	_ =	shalt  }
0x87: {  	_ =	shalt  }
.Lfunc_end0:
.L_simem_size_0:
called_computation.1_lowered:
.L_overlay_start_0:
0x88: {  	s2 =	sld [smem:$0x3FD9]  }
0x89: {  	s3 =	sld [smem:$0x3FFE];
	_ =	sdelay $0x1  }
0x8a: {  	s1 =	srdreg.scid  }
0x8b: {  	s0 =	sand.u32 $0x1, s1  }
0x8c: {  	s16 =	sshll.u32 s0, $0xA;
	s2 =	sadd.s32 s3, s2  }
0x8d: {  	s2 =	sadd.s32 s2, s16  }
0x8e: {  	[smem:$0x3FC1] =	sst s2  }
0x8f: {  	_ = 	snop  }
0x90: {  	(tm) =	ssettm $0x1  }
0x91: {  	s17 =	sld [smem:$0x3FFB];
	_ =	sdelay $0x3  }
0x92: {  	_ =	strace s17  }
0x93: {  	s2 =	sld [smem:$0x3FFC];
	_ =	sdelay $0x3  }
0x94: {  	_ =	strace s2  }
0x95: {  	s2 =	sld [smem:$0x3FFD];
	_ =	sdelay $0x3  }
0x96: {  	_ =	strace s2  }
0x97: {  	_ =	strace $0x8FFFFFFF  }
0x98: {  	s18 =	sld [smem:$0x3FDB];
	_ =	sdelay $0x1  }
0x99: {  	s19 =	simm.s32 $_scs_section_size  }
0x9a: {  	s4 =	simm.s32 $_size__tile_overlayer_lowered;
	s5 =	simm.s32 $_tile_overlayer_lowered  }
0x9b: {  	s22 =	simm.s32 $0x1BFF;
	s21 =	sshll.u32 s5, $0x1;
	s2 =	sadd.s32 s19, s18  }
0x9c: {  	s6 =	simm.s32 $0x0;
	s20 =	sshll.u32 s4, $0x1;
	s4 =	sadd.s32 s21, s2  }
0x9d: {  	[timem:s6], [sflag:s22] =	dma.local [hbm:s4], s20  }
0x9e: {  	_ =	swait.ge [sflag:s22], s20  }
0x9f: {  	s3 =	ssub.s32 $0x0, s20;
	[sflag:s22] =	ssyncset.done $0x0  }
0xa0: {  	[sflag:s22] =	ssyncadd.s32 s3;
	_ =	sdelay $0x1  }
0xa1: {  	s23 =	simm.s32 $0x1B8B  }
0xa2: {  	_ =	swait.ge [sflag:s23], $0x1  }
0xa3: {  	[sflag:s23] =	ssyncset.done $0x0  }
0xa4: {  	s25 =	simm.s32 $0x1B8E;
	s24 =	sld [smem:$0x3FFE];
	[sflag:s23] =	ssyncadd.s32 $0xFFFFFFFF  }
0xa5: {  	s26 =	simm.s32 $execute0_lowered;
	[smem:$0x3FD2] =	sst s25  }
0xa6: {  	s4 =	sshll.u32 s26, $0x1;
	_ =	strace $0x80000046;
	[dreg:$0x1] =	wrdreg $0xFFFFFFFF  }
0xa7: {  	s28 =	simm.s32 $_size_execute0_lowered;
	s2 =	sadd.s32 s2, s4;
	[dreg:$0x0] =	wrdreg $0x0  }
0xa8: {  	s4 =	sshll.u32 s28, $0x1;
	[dreg:$0x2] =	wrdreg s2  }
0xa9: {  	[dreg:$0x3] =	wrdreg s4  }
0xaa: {  	[dreg:$0x4] =	wrdreg $0xC0  }
0xab: {  	_ =	task [dreg:s6], $0x5FFFF  }
0xac: {  	[dreg:$0x1] =	wrdreg $0xFFFFFFFF  }
0xad: {  	[dreg:$0x0] =	wrdreg $0x60  }
0xae: {  	[dreg:$0x2] =	wrdreg s24  }
0xaf: {  	[dreg:$0x3] =	wrdreg $0xA  }
0xb0: {  	_ =	task.clear_ibuf [dreg:s6], $0x4FFFF;
	_ =	strace $0x90000046  }
0xb1: {  	s29 =	simm.s32 $0xA;
	_ =	strace $0x80000048  }
0xb2: {  	_ =	swait.ge [sflag:s29], $0x1  }
0xb3: {  	[sflag:s29] =	ssyncadd.s32 $0xFFFFFFFF  }
0xb4: {  	_ =	strace $0x90000048  }
0xb5: {  	_ =	sfence  }
0xb6: {  	s30 =	sld [smem:$0x0];
	_ =	sdelay $0x2  }
0xb7: {  	s31 =	sshll.u32 s1, $0xD;
	s1 =	sshrl.u32 s1, $0x2  }
0xb8: {  	s3 =	sand.u32 $0x4000, s31;
	s1 =	sadd.s32 s1, s30  }
0xb9: {  	s0 =	sor.u32 s3, s0;
	s1 =	sshll.u32 s1, $0x11  }
0xba: {  	s0 =	sor.u32 s1, s0  }
0xbb: {  	s0 =	sadd.s32 $0x8F2B, s0  }
0xbc: {  	[sflag:s0] =	ssyncadd.remote.s32 $0x1  }
0xbd: {  	_ =	sfence.sel $0xFFFF  }
0xbe: {  	[dreg:$0x0] =	wrdreg $0xFFFFFFFF;
	(pc) =	sbr.abs _section_cstart, $3  }
0xbf: {  	[dreg:$0x1] =	wrdreg $0xFFFFFFFF  }
0xc0: {  	_ =	task.clear_ibuf [dreg:s6], $0x2FFFF;
	_ =	strace $0x9FFFFFFF  }
0xc1: {  	(tm) =	ssettm $0x7FFFFFFF  }
tec
execute0_lowered:
.L_overlay_start_1:
0x0: {  	(tag) =	ssettag $0x1  }
0x1: {  	s7 =	rddreg [dreg:$0x0]  }
0x2: {  	s0 =	rddreg [dreg:$0x1];
	_ =	strace $0x80000047  }
0x3: {  	s1 =	srdreg.scid;
	s4 =	simm.s32 $0x1;
	s9 =	simm.s32 $0x3  }
0x4: {  	s11 =	simm.s32 $0x0;
	p0 =	por $0x0, $0x0;
	s5 =	sshll.u32 s1, $0x4  }
.Ltmp0:
0x5: {  	s1 =	stileid.u32;
	s5 =	sand.u32 $0x10, s5;
	(pc) =	sbr.rel .LBB2_1-.Ltmp0, $4  }
0x6: {  	s2 =	sadd.s32 $0x400, s7;
	s3 =	sadd.s32 $0x200, s7;
	s6 =	sor.u32 s1, s5  }
0x7: {  	[sflag:s4] =	ssyncpa.u1 $0x0;
	s5 =	simm.s32 $0x2;
	s6 =	sshll.u32 s6, $0x6  }
0x8: {  	s7 =	sadd.s32 $0x98400, s7;
	[sflag:s5] =	ssyncpa.u1 $0x0;
	s8 =	sadd.s32 $0x40, s6  }
0x9: {  	vm0 =	vmmov $0xff;
	vm1 =	vcmask $0x3F20;
	[sflag:s9] =	ssyncpa.u1 $0x0;
	s10 =	smov.u32 s6;
	s9 =	simm.s32 $0x0  }
.LBB2_9:
0xa: {  	p1 =	slt.u32 s9, $0x2;
	s11 =	sadd.s32 $0x20, s10  }
0xb: {  	s13 =	smov.u32 s6;
	s9 =	sadd.s32 $0x1, s9;
	p2 =	slt.s32 s11, s8  }
0xc: {  	s13 =	smov.u32 @p2 s11;
	p2 =	sne.s32 s9, $0x4  }
.Ltmp1:
0xd: {  	_ = 	snop;
	(pc) =	sbr.rel @!p2 .LBB2_10-.Ltmp1, $4  }
0xe: {  	s12 =	simm.s32 @!p1 $0x3  }
0xf: {  	_ =	swait.ge @!p1 [sflag:s12], $0x8000  }
0x10: {  	p0 =	por !p0, !p0;
	[sflag:s12] =	ssyncset.done @!p1 $0x0  }
0x11: {  	s11 =	smov.u32 s10;
	s10 =	smov.u32 s13;
	[sflag:s12] =	ssyncadd.s32 @!p1 $0xFFFF8000  }
.LBB2_1:
0x12: {  	p1 =	sgt.u32 s9, $0x1  }
0x13: {  	s12 =	sshll.u32 @!p1 s9, $0x5;
	s13 =	sshrl.u32 @!p1 s10, $0x3  }
0x14: {  	s14 =	sand.u32 @!p1 $0x7, s10;
	s12 =	sxor.u32 @!p1 $0x20, s12;
	s13 =	sadd.s32 @!p1 s3, s13  }
0x15: {  	[tilespmem:s12], [sflag:$0x2] =	stream.linear.gather @!p1 [hbm4b:s13+s14], $0x20, $0x38;
	[tilespmem:$0x10040] =	vst v63  }
0x16: {  	p1 =	seq.s32 s9, $0x0  }
0x17: {  	p2 =	seq.s32 @!p1 s9, $0x3  }
0x18: {  	p1 =	por p1, p2  }
.Ltmp2:
0x19: {  	_ = 	snop;
	(pc) =	sbr.rel @p1 .LBB2_9-.Ltmp2, $1  }
0x1a: {  	_ =	sdelay $0x3  }
0x1b: {  	s12 =	simm.s32 $0x1  }
0x1c: {  	_ =	swait.ge [sflag:s5], $0x20;
	s13 =	sand.u32 $0x1, s9;
	s12 =	simm.s32 @!p0 $0x0  }
0x1d: {  	s15 =	simm.s32 $0x0;
	p2 =	por $0x1, $0x1;
	s12 =	sshll.u32 s12, $0x11  }
0x1e: {  	[sflag:s5] =	ssyncset.done $0x0;
	s13 =	sshll.u32 s13, $0x5;
	s14 =	sshrl.u32 s12, $0x2  }
0x1f: {  	[sflag:s5] =	ssyncadd.s32 $0xFFFFFFE0;
	s12 =	sor.u32 $0x40, s14;
	s14 =	sadd.s32 $0x40, s14  }
.LBB2_3:
0x20: {  	s16 =	sshll.u32 s15, $0x4  }
0x21: {  	s16 =	sand.u32 $0x3FFFFFF0, s16  }
0x22: {  	s16 =	sadd.s32 s16, s13  }
0x23: {  	v0 =	vld.msk [tilespmem:s16+$0x0 ss:$0x1], $0xffff;
	_ =	sdelay $0x4  }
0x24: {  	vm2 =	vgt.s32 v0, $0x0  }
0x25: {  	v0 =	vnsel vm2, $0x0, v0  }
0x26: {  	v0 =	vmin.u32 v0, $0x12FF  }
0x27: {  	v1 =	vshll.u32 v0, $0x7;
	v0 =	vshll.u32 v0, $0x4  }
0x28: {  	v1 =	vand.u32 $0xFFC00, v1;
	v0 =	vand.u32 $0x70, v0  }
0x29: {  	v0 =	vor.u32 v0, v1  }
0x2a: {  	s31 =	sshll.u32 s15, $0x10  }
0x2b: {  	s15 =	sshra.s32 s31, $0x2  }
0x2c: {  	s15 =	sadd.s32 s15, s14  }
0x2d: {  	s17 =	sadd.s32 $0x0, s15  }
0x2e: {  	[tilespmem:s17], [sflag:$0x1] =	stream.indirect_vreg.gather [hbm:s2], $0x80, v0, vm0, $0x38;
	[tilespmem:$0x10040] =	vst v63  }
0x2f: {  	p1 =	por p2, p2;
	s16 =	simm.s32 $0x1000;
	v1 =	vadd.s32 $0x80, v0;
	s17 =	sadd.s32 $0x2000, s17  }
.LBB2_4:
0x30: {  	[tilespmem:s17], [sflag:$0x1] =	stream.indirect_vreg.gather [hbm:s2], $0x80, v0, vm1, $0x38;
	[tilespmem:$0x10040] =	vst v63  }
0x31: {  	v0 =	vmov v1;
	s17 =	smov.u32 s16;
	p2 =	sne.s32 s16, $0x7000  }
.Ltmp3:
0x32: {  	s16 =	sadd.s32 $0x1000, s16;
	(pc) =	sbr.rel @p2 .LBB2_4-.Ltmp3, $4  }
0x33: {  	s17 =	sshra.s32 s17, $0x2  }
0x34: {  	s17 =	sadd.s32 s17, s15  }
0x35: {  	[tilespmem:s17], [sflag:$0x1] =	stream.indirect_vreg.gather [hbm:s2], $0x80, v1, vm0, $0x38;
	[tilespmem:$0x10040] =	vst v63  }
0x36: {  	s17 =	sadd.s32 $0x2000, s17;
	v1 =	vadd.s32 $0x80, v1  }
0x37: {  	_ = 	snop  }
.Ltmp4:
0x38: {  	_ = 	snop;
	(pc) =	sbr.rel @p1 .LBB2_3-.Ltmp4, $3  }
0x39: {  	_ =	sdelay $0x1  }
0x3a: {  	[tilespmem:s17], [sflag:$0x1] =	stream.indirect_vreg.gather [hbm:s2], $0x80, v0, vm1, $0x38;
	[tilespmem:$0x10040] =	vst v63  }
0x3b: {  	s15 =	simm.s32 $0x1;
	p2 =	por $0x0, $0x0  }
0x3c: {  	s13 =	sshll.u32 s11, $0x7  }
0x3d: {  	s31 =	sshll.u32 s11, $0x4;
	s13 =	sand.u32 $0xFFFFFC00, s13  }
0x3e: {  	_ =	swait.ge [sflag:s4], $0x8000;
	s11 =	sand.u32 $0x70, s31;
	s13 =	sadd.s32 s13, s7  }
0x3f: {  	s14 =	sadd.s32 $0x2000, s12;
	[sflag:s4] =	ssyncset.done $0x0;
	s11 =	sadd.s32 s11, s13  }
0x40: {  	[sflag:s4] =	ssyncadd.s32 $0xFFFF8000;
	s13 =	simm.s32 $0x400;
	s15 =	sadd.s32 $0x0, s11  }
.LBB2_7:
0x41: {  	[hbm:s15] =	stream.linear.scatter [tilespmem:s12], [sflag:$0x3], $0x2000, $0x38;
	[tilespmem:$0x10040] =	vst v63  }
0x42: {  	s15 =	smov.u32 s13;
	s12 =	smov.u32 s14;
	p1 =	sne.s32 s13, $0xC00  }
.Ltmp5:
0x43: {  	s13 =	sadd.s32 $0x400, s13;
	(pc) =	sbr.rel @p1 .LBB2_7-.Ltmp5, $2  }
0x44: {  	_ =	sdelay $0x2  }
0x45: {  	s14 =	sadd.s32 $0x2000, s14;
	s15 =	sadd.s32 s15, s11  }
.Ltmp6:
0x46: {  	(pc) =	sbr.rel .LBB2_9-.Ltmp6, $2  }
0x47: {  	_ =	sdelay $0x2  }
0x48: {  	[hbm:s15] =	stream.linear.scatter [tilespmem:s12], [sflag:$0x3], $0x2000, $0x38;
	[tilespmem:$0x10040] =	vst v63  }
.LBB2_10:
0x49: {  	_ =	sfence.sel $0x180000  }
0x4a: {  	s2 =	simm.s32 $0x2;
	[bflag:$0x0] =	sbarrier.arrive $0xFFFF  }
0x4b: {  	s30 =	simm.s32 $0x3;
	[sflag:s2] =	ssyncpa.u1 $0x1  }
0x4c: {  	s31 =	simm.s32 $0x1;
	[sflag:s30] =	ssyncpa.u1 $0x1  }
0x4d: {  	[sflag:s31] =	ssyncpa.u1 $0x1  }
0x4e: {  	p0 =	sne.s32 s1, $0x0;
	_ =	strace $0x90000047  }
0x4f: {  	s0 =	sadd.s32 @!p0 $0x100000, s0;
	[bflag:$0x2] =	sbarrier.arrive $0xFFFF  }
0x50: {  	[sflag:s0] =	ssyncadd.tile.s32 @!p0 $0x1;
	_ =	shalt  }
.Lfunc_end2:
_tile_overlayer_lowered:
.L_overlay_start_2:
0x51: {  	(tag) =	ssettag $0x2  }
0x52: {  	s0 =	rddreg [dreg:$0x0];
	s2 =	stileid.u32  }
0x53: {  	s1 =	rddreg [dreg:$0x1];
	p0 =	sne.s32 s2, $0x0  }
0x54: {  	s3 =	rddreg [dreg:$0x2];
	[bflag:$0x3] =	sbarrier.arrive $0xFFFF;
	s2 =	simm.s32 @!p0 $0x1C01  }
0x55: {  	[timem:s3], [sflag:s2] =	dma.local @!p0 [hbm:s0], s1  }
0x56: {  	s0 =	simm.s32 @!p0 $0x1  }
0x57: {  	_ =	swait.ge @!p0 [sflag:s0], s1  }
0x58: {  	s1 =	ssub.s32 @!p0 $0x0, s1;
	[sflag:s0] =	ssyncset.done @!p0 $0x0  }
0x59: {  	[sflag:s0] =	ssyncadd.s32 @!p0 s1  }
0x5a: {  	[bflag:$0x3] =	sbarrier.arrive $0xFFFF  }
0x5b: {  	_ =	shalt  }

// kernel: gather_offload_async_start
scs
__scs_entry_jumppad:
0x0: {  	(pc) =	sbr.rel $0x88, $3  }
0x1: {  	(tag) =	ssettag $0x0;
	lr =	simm.s32 $0x1  }
0x2: {  	[smem:$0x3F9A] =	sst lr;
	_ =	strace $0xD0000000  }
0x3: {  	_ = 	snop  }
0x4: {  	_ = 	snop  }
0x5: {  	_ = 	snop  }
0x6: {  	_ = 	snop  }
0x7: {  	_ = 	snop  }
__scs_overlays_trampoline_lowered:
0x8: {  	[smem:$0x3FA9] =	sst s0  }
0x9: {  	[smem:$0x3FAA] =	sst s1  }
0xa: {  	[smem:$0x3FAB] =	sst s2  }
0xb: {  	[smem:$0x3FAC] =	sst s3  }
0xc: {  	[smem:$0x3FAD] =	sst s4  }
0xd: {  	[smem:$0x3FAE] =	sst s5  }
0xe: {  	[smem:$0x3FAF] =	sst s6  }
0xf: {  	[smem:$0x3FB0] =	sst s7  }
0x10: {  	[smem:$0x3FB1] =	sst s8  }
0x11: {  	[smem:$0x3FB2] =	sst s9;
	s0 =	simm.s32 @!p0 $0x0  }
0x12: {  	s1 =	sld [smem:$0x3F98];
	s0 =	simm.s32 @p0 $0x1  }
0x13: {  	[smem:$0x3FB3] =	sst s0;
	s0 =	simm.s32 @!p1 $0x0  }
0x14: {  	s2 =	sld [smem:$0x3F97];
	s0 =	simm.s32 @p1 $0x1  }
0x15: {  	[smem:$0x3FB4] =	sst s0;
	s0 =	simm.s32 @!p2 $0x0  }
0x16: {  	s3 =	sld [smem:$0x3FDB];
	s0 =	simm.s32 @p2 $0x1  }
0x17: {  	s4 =	simm.s32 $0x1BF5;
	[smem:$0x3FB6] =	sst s0  }
0x18: {  	s0 =	sld [smem:$0x3F99];
	_ =	swait.ge [sflag:s4], $0x0  }
0x19: {  	s7 =	sld [smem:$0x3F9A]  }
0x1a: {  	s8 =	sadd.s32 $0xFFFFE003, lr  }
0x1b: {  	s9 =	sadd.s32 $0xFFFFFEF7, lr;
	s5 =	simm.s32 $0xFFFFFFFF;
	p2 =	slt.u32 s8, $0xFFFFF086  }
0x1c: {  	p1 =	slt.u32 s9, $0xF7A;
	s5 =	simm.s32 @!p2 $0x0  }
0x1d: {  	s5 =	simm.s32 @p1 $0x1;
	p0 =	seq.s32 s7, s2  }
0x1e: {  	s7 =	smul.u32 @!p0 $0xF7A, s2;
	p2 =	seq.s32 @!p0 s5, $0x0  }
0x1f: {  	s9 =	smul.u32 $0xF7A, s1;
	s8 =	simm.s32 @!p0 $0x1BF5;
	p2 =	por !p2, p0  }
0x20: {  	[sflag:s8] =	ssyncset.s32 @!p0 $0xFFFFF086;
	s6 =	sadd.s32 @!p0 s3, s7;
	s7 =	simm.s32 @!p0 $0x108  }
0x21: {  	s3 =	sadd.s32 s3, s9;
	s6 =	sadd.s32 @!p0 $0x88, s6;
	s7 =	simm.s32 @p2 $0x1082  }
0x22: {  	[simem:s7], [sflag:s8] =	dma.local @!p0 [hbm:s6], $0xF7A  }
0x23: {  	s9 =	sor.u32 $0xD0000000, s2;
	s6 =	simm.s32 $0x108;
	_ =	swait.ge @!p0 [sflag:s8], $0x0  }
0x24: {  	s3 =	sadd.s32 $0x88, s3;
	s6 =	simm.s32 @!p1 $0x1082;
	[sflag:s4] =	ssyncset.s32 $0xFFFFF086  }
0x25: {  	[simem:s6], [sflag:s4] =	dma.local [hbm:s3], $0xF7A  }
0x26: {  	[smem:$0x3F9A] =	sst s1;
	(tag) =	ssettag s2;
	_ =	strace s9  }
0x27: {  	s1 =	sld [smem:$0x3FAA]  }
0x28: {  	s2 =	sld [smem:$0x3FAB]  }
0x29: {  	s4 =	sld [smem:$0x3FAD]  }
0x2a: {  	p0 =	seq.s32 s5, $0x0;
	s5 =	sld [smem:$0x3FAE]  }
0x2b: {  	s6 =	sld [smem:$0x3FAF]  }
0x2c: {  	s7 =	sld [smem:$0x3FB0]  }
0x2d: {  	s3 =	simm.s32 $0x108;
	s8 =	sld [smem:$0x3FB1]  }
0x2e: {  	s3 =	simm.s32 @!p0 $0x1082;
	s9 =	sld [smem:$0x3FB2]  }
0x2f: {  	lr =	sadd.s32 s0, s3;
	s0 =	sld [smem:$0x3FA9]  }
0x30: {  	s3 =	sld [smem:$0x3FAC]  }
0x31: {  	[smem:$0x3FB5] =	sst s10  }
0x32: {  	s10 =	sld [smem:$0x3FB3];
	_ =	sdelay $0x3  }
0x33: {  	p0 =	seq.s32 s10, $0x1;
	s10 =	sld [smem:$0x3FB5];
	_ =	sdelay $0x3  }
0x34: {  	[smem:$0x3FB5] =	sst s10  }
0x35: {  	s10 =	sld [smem:$0x3FB4];
	_ =	sdelay $0x3  }
0x36: {  	p1 =	seq.s32 s10, $0x1;
	s10 =	sld [smem:$0x3FB5];
	_ =	sdelay $0x3  }
0x37: {  	[smem:$0x3FB5] =	sst s10  }
0x38: {  	s10 =	sld [smem:$0x3FB6]  }
0x39: {  	_ = 	snop;
	(pc) =	sbr.ind lr, $3  }
0x3a: {  	_ = 	snop  }
0x3b: {  	_ = 	snop  }
0x3c: {  	p2 =	seq.s32 s10, $0x1;
	s10 =	sld [smem:$0x3FB5]  }
0x3d: {  	_ =	shalt  }
0x3e: {  	_ =	shalt  }
0x3f: {  	_ =	shalt  }
0x40: {  	_ =	shalt  }
0x41: {  	_ =	shalt  }
0x42: {  	_ =	shalt  }
0x43: {  	_ =	shalt  }
0x44: {  	_ =	shalt  }
0x45: {  	_ =	shalt  }
0x46: {  	_ =	shalt  }
0x47: {  	_ =	shalt  }
0x48: {  	_ =	shalt  }
0x49: {  	_ =	shalt  }
0x4a: {  	_ =	shalt  }
0x4b: {  	_ =	shalt  }
0x4c: {  	_ =	shalt  }
0x4d: {  	_ =	shalt  }
0x4e: {  	_ =	shalt  }
0x4f: {  	_ =	shalt  }
0x50: {  	_ =	shalt  }
0x51: {  	_ =	shalt  }
0x52: {  	_ =	shalt  }
0x53: {  	_ =	shalt  }
0x54: {  	_ =	shalt  }
0x55: {  	_ =	shalt  }
0x56: {  	_ =	shalt  }
0x57: {  	_ =	shalt  }
0x58: {  	_ =	shalt  }
0x59: {  	_ =	shalt  }
0x5a: {  	_ =	shalt  }
0x5b: {  	_ =	shalt  }
0x5c: {  	_ =	shalt  }
0x5d: {  	_ =	shalt  }
0x5e: {  	_ =	shalt  }
0x5f: {  	_ =	shalt  }
0x60: {  	_ =	shalt  }
0x61: {  	_ =	shalt  }
0x62: {  	_ =	shalt  }
0x63: {  	_ =	shalt  }
0x64: {  	_ =	shalt  }
0x65: {  	_ =	shalt  }
0x66: {  	_ =	shalt  }
0x67: {  	_ =	shalt  }
0x68: {  	_ =	shalt  }
0x69: {  	_ =	shalt  }
0x6a: {  	_ =	shalt  }
0x6b: {  	_ =	shalt  }
0x6c: {  	_ =	shalt  }
0x6d: {  	_ =	shalt  }
0x6e: {  	_ =	shalt  }
0x6f: {  	_ =	shalt  }
0x70: {  	_ =	shalt  }
0x71: {  	_ =	shalt  }
0x72: {  	_ =	shalt  }
0x73: {  	_ =	shalt  }
0x74: {  	_ =	shalt  }
0x75: {  	_ =	shalt  }
0x76: {  	_ =	shalt  }
0x77: {  	_ =	shalt  }
0x78: {  	_ =	shalt  }
0x79: {  	_ =	shalt  }
0x7a: {  	_ =	shalt  }
0x7b: {  	_ =	shalt  }
0x7c: {  	_ =	shalt  }
0x7d: {  	_ =	shalt  }
0x7e: {  	_ =	shalt  }
0x7f: {  	_ =	shalt  }
0x80: {  	_ =	shalt  }
0x81: {  	_ =	shalt  }
0x82: {  	_ =	shalt  }
0x83: {  	_ =	shalt  }
0x84: {  	_ =	shalt  }
0x85: {  	_ =	shalt  }
0x86: {  	_ =	shalt  }
0x87: {  	_ =	shalt  }
.Lfunc_end0:
.L_simem_size_0:
called_computation_lowered:
.L_overlay_start_0:
0x88: {  	s2 =	sld [smem:$0x3FD9]  }
0x89: {  	s3 =	sld [smem:$0x3FFE];
	_ =	sdelay $0x1  }
0x8a: {  	s1 =	srdreg.scid  }
0x8b: {  	s0 =	sand.u32 $0x1, s1  }
0x8c: {  	s17 =	sshll.u32 s0, $0xA;
	s2 =	sadd.s32 s3, s2  }
0x8d: {  	s2 =	sadd.s32 s2, s17  }
0x8e: {  	[smem:$0x3FC1] =	sst s2  }
0x8f: {  	_ = 	snop  }
0x90: {  	s18 =	sld [smem:$0x3FD0];
	(tm) =	ssettm $0x1  }
0x91: {  	s19 =	sld [smem:$0x3FFB];
	_ =	sdelay $0x3  }
0x92: {  	_ =	strace s19  }
0x93: {  	s2 =	sld [smem:$0x3FFC];
	_ =	sdelay $0x3  }
0x94: {  	_ =	strace s2  }
0x95: {  	s2 =	sld [smem:$0x3FFD];
	_ =	sdelay $0x3  }
0x96: {  	_ =	strace s2  }
0x97: {  	_ =	strace $0x8FFFFFFF  }
0x98: {  	s20 =	sld [smem:$0x3FDB];
	_ =	sdelay $0x1  }
0x99: {  	s4 =	simm.s32 $_scs_section_size  }
0x9a: {  	s5 =	simm.s32 $_size__tile_overlayer_lowered;
	s6 =	simm.s32 $_tile_overlayer_lowered  }
0x9b: {  	s7 =	simm.s32 $0x1BFF;
	s21 =	sshll.u32 s6, $0x1;
	s4 =	sadd.s32 s4, s20  }
0x9c: {  	s22 =	simm.s32 $0x0;
	s5 =	sshll.u32 s5, $0x1;
	s6 =	sadd.s32 s21, s4  }
0x9d: {  	[timem:s22], [sflag:s7] =	dma.local [hbm:s6], s5  }
0x9e: {  	_ =	swait.ge [sflag:s7], s5  }
0x9f: {  	s5 =	ssub.s32 $0x0, s5;
	[sflag:s7] =	ssyncset.done $0x0  }
0xa0: {  	[sflag:s7] =	ssyncadd.s32 s5;
	_ =	sdelay $0x1  }
0xa1: {  	s23 =	simm.s32 $0x1B8B  }
0xa2: {  	_ =	swait.ge [sflag:s23], $0x1  }
0xa3: {  	[sflag:s23] =	ssyncset.done $0x0  }
0xa4: {  	[sflag:s23] =	ssyncadd.s32 $0xFFFFFFFF  }
0xa5: {  	s5 =	sld [smem:$0x0]  }
0xa6: {  	s6 =	sand.u32 $0xFFFFFFFE, s1  }
0xa7: {  	p0 =	sne.s32 s1, s6  }
0xa8: {  	s6 =	sshll.u32 @p0 s6, $0xE  }
0xa9: {  	s6 =	sadd.s32 @p0 $0x11B8D, s6;
	s7 =	sshll.u32 @p0 s5, $0x11  }
0xaa: {  	s6 =	sor.u32 @p0 s7, s6  }
0xab: {  	[sflag:s6] =	ssyncadd.remote.s32 @p0 $0x1;
	_ =	sdelay $0x1  }
0xac: {  	s6 =	simm.s32 @p0 $0x1B8D  }
0xad: {  	_ =	swait.eq @p0 [sflag:s6], $0x1  }
0xae: {  	[sflag:s6] =	ssyncadd.s32 @p0 $0xFFFFFFFF  }
0xaf: {  	s7 =	sshll.u32 @!p0 s1, $0xE  }
0xb0: {  	s7 =	sor.u32 @!p0 $0x4000, s7;
	s6 =	simm.s32 @!p0 $0x1B8D  }
0xb1: {  	s5 =	sshll.u32 @!p0 s5, $0x11;
	s7 =	sadd.s32 @!p0 $0x11B8D, s7;
	_ =	swait.eq @!p0 [sflag:s6], $0x1  }
0xb2: {  	s5 =	sor.u32 @!p0 s5, s7;
	[sflag:s6] =	ssyncadd.s32 @!p0 $0xFFFFFFFF  }
0xb3: {  	s25 =	simm.s32 $0x1B8E;
	s24 =	sld [smem:$0x3FFE];
	[sflag:s5] =	ssyncadd.remote.s32 @!p0 $0x1  }
0xb4: {  	s26 =	simm.s32 $execute0_lowered;
	[smem:$0x3FD2] =	sst s25  }
0xb5: {  	s6 =	sshll.u32 s26, $0x1;
	_ =	strace $0x80000049;
	[dreg:$0x1] =	wrdreg $0xFFFFFFFF  }
0xb6: {  	s28 =	simm.s32 $_size_execute0_lowered;
	s4 =	sadd.s32 s4, s6;
	[dreg:$0x0] =	wrdreg $0x0  }
0xb7: {  	s6 =	sshll.u32 s28, $0x1;
	[dreg:$0x2] =	wrdreg s4  }
0xb8: {  	[dreg:$0x3] =	wrdreg s6  }
0xb9: {  	[dreg:$0x4] =	wrdreg $0xC0  }
0xba: {  	_ =	task [dreg:s22], $0x5FFFF  }
0xbb: {  	[dreg:$0x1] =	wrdreg $0xFFFFFFFF  }
0xbc: {  	[dreg:$0x0] =	wrdreg $0x60  }
0xbd: {  	[dreg:$0x2] =	wrdreg s24  }
0xbe: {  	[dreg:$0x3] =	wrdreg s18  }
0xbf: {  	[dreg:$0x4] =	wrdreg $0x9  }
0xc0: {  	_ =	task.clear_ibuf [dreg:s22], $0x5FFFF;
	_ =	strace $0x90000049  }
0xc1: {  	s29 =	simm.s32 $0x9;
	_ =	strace $0x8000004B  }
0xc2: {  	_ =	swait.ge [sflag:s29], $0x1  }
0xc3: {  	[sflag:s29] =	ssyncadd.s32 $0xFFFFFFFF  }
0xc4: {  	_ =	strace $0x9000004B  }
0xc5: {  	_ =	sfence  }
0xc6: {  	s30 =	sld [smem:$0x0];
	_ =	sdelay $0x2  }
0xc7: {  	s31 =	sshll.u32 s1, $0xD;
	s1 =	sshrl.u32 s1, $0x2  }
0xc8: {  	s4 =	sand.u32 $0x4000, s31;
	s1 =	sadd.s32 s1, s30  }
0xc9: {  	s0 =	sor.u32 s4, s0;
	s1 =	sshll.u32 s1, $0x11  }
0xca: {  	s0 =	sor.u32 s1, s0  }
0xcb: {  	s0 =	sadd.s32 $0x8F2B, s0  }
0xcc: {  	[sflag:s0] =	ssyncadd.remote.s32 $0x1  }
0xcd: {  	_ =	sfence.sel $0xFFFF  }
0xce: {  	[dreg:$0x0] =	wrdreg $0xFFFFFFFF;
	(pc) =	sbr.abs _section_cstart, $3  }
0xcf: {  	[dreg:$0x1] =	wrdreg $0xFFFFFFFF  }
0xd0: {  	_ =	task.clear_ibuf [dreg:s22], $0x2FFFF;
	_ =	strace $0x9FFFFFFF  }
0xd1: {  	(tm) =	ssettm $0x7FFFFFFF  }
tec
execute0_lowered:
.L_overlay_start_1:
0x0: {  	(tag) =	ssettag $0x1  }
0x1: {  	s7 =	rddreg [dreg:$0x0]  }
0x2: {  	s2 =	rddreg [dreg:$0x1]  }
0x3: {  	s0 =	rddreg [dreg:$0x2]  }
0x4: {  	s1 =	srdreg.scid;
	_ =	strace $0x8000004A;
	s4 =	simm.s32 $0x1  }
0x5: {  	s9 =	simm.s32 $0x3;
	s11 =	simm.s32 $0x0;
	s5 =	sshll.u32 s1, $0x4  }
.Ltmp0:
0x6: {  	s1 =	stileid.u32;
	s5 =	sand.u32 $0x10, s5;
	(pc) =	sbr.rel .LBB2_1-.Ltmp0, $4  }
0x7: {  	p0 =	por $0x0, $0x0;
	s3 =	sadd.s32 $0x400, s7;
	s6 =	sor.u32 s1, s5  }
0x8: {  	[sflag:s4] =	ssyncpa.u1 $0x0;
	s5 =	simm.s32 $0x2;
	s6 =	sshll.u32 s6, $0x6  }
0x9: {  	s7 =	sadd.s32 $0xD8400, s7;
	[sflag:s5] =	ssyncpa.u1 $0x0;
	s8 =	sadd.s32 $0x40, s6  }
0xa: {  	vm0 =	vmmov $0xff;
	vm1 =	vcmask $0x3F20;
	[sflag:s9] =	ssyncpa.u1 $0x0;
	s10 =	smov.u32 s6;
	s9 =	simm.s32 $0x0  }
.LBB2_9:
0xb: {  	p1 =	slt.u32 s9, $0x2;
	s11 =	sadd.s32 $0x20, s10  }
0xc: {  	s13 =	smov.u32 s6;
	s9 =	sadd.s32 $0x1, s9;
	p2 =	slt.s32 s11, s8  }
0xd: {  	s13 =	smov.u32 @p2 s11;
	p2 =	sne.s32 s9, $0x4  }
.Ltmp1:
0xe: {  	_ = 	snop;
	(pc) =	sbr.rel @!p2 .LBB2_10-.Ltmp1, $4  }
0xf: {  	s12 =	simm.s32 @!p1 $0x3  }
0x10: {  	_ =	swait.ge @!p1 [sflag:s12], $0x8000  }
0x11: {  	p0 =	por !p0, !p0;
	[sflag:s12] =	ssyncset.done @!p1 $0x0  }
0x12: {  	s11 =	smov.u32 s10;
	s10 =	smov.u32 s13;
	[sflag:s12] =	ssyncadd.s32 @!p1 $0xFFFF8000  }
.LBB2_1:
0x13: {  	p1 =	sgt.u32 s9, $0x1  }
0x14: {  	s12 =	sshll.u32 @!p1 s9, $0x5;
	s13 =	sshrl.u32 @!p1 s10, $0x3  }
0x15: {  	s14 =	sand.u32 @!p1 $0x7, s10;
	s12 =	sxor.u32 @!p1 $0x20, s12;
	s13 =	sadd.s32 @!p1 s7, s13  }
0x16: {  	[tilespmem:s12], [sflag:$0x2] =	stream.linear.gather @!p1 [hbm4b:s13+s14], $0x20, $0x38;
	[tilespmem:$0x10040] =	vst v63  }
0x17: {  	p1 =	seq.s32 s9, $0x0  }
0x18: {  	p2 =	seq.s32 @!p1 s9, $0x3  }
0x19: {  	p1 =	por p1, p2  }
.Ltmp2:
0x1a: {  	_ = 	snop;
	(pc) =	sbr.rel @p1 .LBB2_9-.Ltmp2, $1  }
0x1b: {  	_ =	sdelay $0x3  }
0x1c: {  	s12 =	simm.s32 $0x1  }
0x1d: {  	_ =	swait.ge [sflag:s5], $0x20;
	s13 =	sand.u32 $0x1, s9;
	s12 =	simm.s32 @!p0 $0x0  }
0x1e: {  	s15 =	simm.s32 $0x0;
	p2 =	por $0x1, $0x1;
	s12 =	sshll.u32 s12, $0x11  }
0x1f: {  	[sflag:s5] =	ssyncset.done $0x0;
	s13 =	sshll.u32 s13, $0x5;
	s14 =	sshrl.u32 s12, $0x2  }
0x20: {  	[sflag:s5] =	ssyncadd.s32 $0xFFFFFFE0;
	s12 =	sor.u32 $0x40, s14;
	s14 =	sadd.s32 $0x40, s14  }
.LBB2_3:
0x21: {  	s16 =	sshll.u32 s15, $0x4  }
0x22: {  	s16 =	sand.u32 $0x3FFFFFF0, s16  }
0x23: {  	s16 =	sadd.s32 s16, s13  }
0x24: {  	v0 =	vld.msk [tilespmem:s16+$0x0 ss:$0x1], $0xffff;
	_ =	sdelay $0x4  }
0x25: {  	vm2 =	vgt.s32 v0, $0x0  }
0x26: {  	v0 =	vnsel vm2, $0x0, v0  }
0x27: {  	v0 =	vmin.u32 v0, $0x12FF  }
0x28: {  	v1 =	vshll.u32 v0, $0x7;
	v0 =	vshll.u32 v0, $0x4  }
0x29: {  	v1 =	vand.u32 $0xFFC00, v1;
	v0 =	vand.u32 $0x70, v0  }
0x2a: {  	v0 =	vor.u32 v0, v1  }
0x2b: {  	s31 =	sshll.u32 s15, $0x10  }
0x2c: {  	s15 =	sshra.s32 s31, $0x2  }
0x2d: {  	s15 =	sadd.s32 s15, s14  }
0x2e: {  	s17 =	sadd.s32 $0x0, s15  }
0x2f: {  	[tilespmem:s17], [sflag:$0x1] =	stream.indirect_vreg.gather [hbm:s3], $0x80, v0, vm0, $0x38;
	[tilespmem:$0x10040] =	vst v63  }
0x30: {  	p1 =	por p2, p2;
	s16 =	simm.s32 $0x1000;
	v1 =	vadd.s32 $0x80, v0;
	s17 =	sadd.s32 $0x2000, s17  }
.LBB2_4:
0x31: {  	[tilespmem:s17], [sflag:$0x1] =	stream.indirect_vreg.gather [hbm:s3], $0x80, v0, vm1, $0x38;
	[tilespmem:$0x10040] =	vst v63  }
0x32: {  	v0 =	vmov v1;
	s17 =	smov.u32 s16;
	p2 =	sne.s32 s16, $0x7000  }
.Ltmp3:
0x33: {  	s16 =	sadd.s32 $0x1000, s16;
	(pc) =	sbr.rel @p2 .LBB2_4-.Ltmp3, $4  }
0x34: {  	s17 =	sshra.s32 s17, $0x2  }
0x35: {  	s17 =	sadd.s32 s17, s15  }
0x36: {  	[tilespmem:s17], [sflag:$0x1] =	stream.indirect_vreg.gather [hbm:s3], $0x80, v1, vm0, $0x38;
	[tilespmem:$0x10040] =	vst v63  }
0x37: {  	s17 =	sadd.s32 $0x2000, s17;
	v1 =	vadd.s32 $0x80, v1  }
0x38: {  	_ = 	snop  }
.Ltmp4:
0x39: {  	_ = 	snop;
	(pc) =	sbr.rel @p1 .LBB2_3-.Ltmp4, $3  }
0x3a: {  	_ =	sdelay $0x1  }
0x3b: {  	[tilespmem:s17], [sflag:$0x1] =	stream.indirect_vreg.gather [hbm:s3], $0x80, v0, vm1, $0x38;
	[tilespmem:$0x10040] =	vst v63  }
0x3c: {  	s15 =	simm.s32 $0x1;
	p2 =	por $0x0, $0x0  }
0x3d: {  	s13 =	sshll.u32 s11, $0x7  }
0x3e: {  	s31 =	sshll.u32 s11, $0x4;
	s13 =	sand.u32 $0xFFFFFC00, s13  }
0x3f: {  	_ =	swait.ge [sflag:s4], $0x8000;
	s11 =	sand.u32 $0x70, s31;
	s13 =	sadd.s32 s13, s2  }
0x40: {  	s14 =	sadd.s32 $0x2000, s12;
	[sflag:s4] =	ssyncset.done $0x0;
	s11 =	sadd.s32 s11, s13  }
0x41: {  	[sflag:s4] =	ssyncadd.s32 $0xFFFF8000;
	s13 =	simm.s32 $0x400;
	s15 =	sadd.s32 $0x0, s11  }
.LBB2_7:
0x42: {  	[hbm:s15] =	stream.linear.scatter [tilespmem:s12], [sflag:$0x3], $0x2000, $0x38;
	[tilespmem:$0x10040] =	vst v63  }
0x43: {  	s15 =	smov.u32 s13;
	s12 =	smov.u32 s14;
	p1 =	sne.s32 s13, $0xC00  }
.Ltmp5:
0x44: {  	s13 =	sadd.s32 $0x400, s13;
	(pc) =	sbr.rel @p1 .LBB2_7-.Ltmp5, $2  }
0x45: {  	_ =	sdelay $0x2  }
0x46: {  	s14 =	sadd.s32 $0x2000, s14;
	s15 =	sadd.s32 s15, s11  }
.Ltmp6:
0x47: {  	(pc) =	sbr.rel .LBB2_9-.Ltmp6, $2  }
0x48: {  	_ =	sdelay $0x2  }
0x49: {  	[hbm:s15] =	stream.linear.scatter [tilespmem:s12], [sflag:$0x3], $0x2000, $0x38;
	[tilespmem:$0x10040] =	vst v63  }
.LBB2_10:
0x4a: {  	_ =	sfence.sel $0x180000  }
0x4b: {  	s2 =	simm.s32 $0x2;
	[bflag:$0x0] =	sbarrier.arrive $0xFFFF  }
0x4c: {  	s30 =	simm.s32 $0x3;
	[sflag:s2] =	ssyncpa.u1 $0x1  }
0x4d: {  	s31 =	simm.s32 $0x1;
	[sflag:s30] =	ssyncpa.u1 $0x1  }
0x4e: {  	[sflag:s31] =	ssyncpa.u1 $0x1  }
0x4f: {  	p0 =	sne.s32 s1, $0x0;
	_ =	strace $0x9000004A  }
0x50: {  	s0 =	sadd.s32 @!p0 $0x100000, s0;
	[bflag:$0x2] =	sbarrier.arrive $0xFFFF  }
0x51: {  	[sflag:s0] =	ssyncadd.tile.s32 @!p0 $0x1;
	_ =	shalt  }
.Lfunc_end2:
_tile_overlayer_lowered:
.L_overlay_start_2:
0x52: {  	(tag) =	ssettag $0x2  }
0x53: {  	s0 =	rddreg [dreg:$0x0];
	s2 =	stileid.u32  }
0x54: {  	s1 =	rddreg [dreg:$0x1];
	p0 =	sne.s32 s2, $0x0  }
0x55: {  	s3 =	rddreg [dreg:$0x2];
	[bflag:$0x3] =	sbarrier.arrive $0xFFFF;
	s2 =	simm.s32 @!p0 $0x1C01  }
0x56: {  	[timem:s3], [sflag:s2] =	dma.local @!p0 [hbm:s0], s1  }
0x57: {  	s0 =	simm.s32 @!p0 $0x1  }
0x58: {  	_ =	swait.ge @!p0 [sflag:s0], s1  }
0x59: {  	s1 =	ssub.s32 @!p0 $0x0, s1;
	[sflag:s0] =	ssyncset.done @!p0 $0x0  }
0x5a: {  	[sflag:s0] =	ssyncadd.s32 @!p0 s1  }
0x5b: {  	[bflag:$0x3] =	sbarrier.arrive $0xFFFF  }
0x5c: {  	_ =	shalt  }

</sc_bundles>
